<compile_context>
chip_gen: v7x
topology: tpu7x:2x2x1
jax: 0.10.2.dev20260603
libtpu: 0.0.44.dev20260713+nightly
codegen_flags: <defaults>
</compile_context>

<pallas_src>
import functools

import jax
import jax.numpy as jnp
from jax import lax
from jax.experimental import pallas as pl
from jax.experimental.pallas import tpu as pltpu
from jax.experimental.pallas import tpu_sc as plsc

N = 50000
E = 800000
EMB = 32
HID = 64
NCAT = 4
CFD = 8

NCORES = 2
NSUB = 16
NTILES = NCORES * NSUB
NP = 50176
PT = NP // NSUB
CZ = 448
EPT = E // NTILES
CHE = 500
NCH = EPT // CHE
NPAIR = NCH // 2
CZ2 = 64
ONESZ = 512

BN = 3584
NB = NP // BN
BC = 3584
NBC = NP // BC


def _sc_mesh():
    return plsc.VectorSubcoreMesh(
        core_axis_name="c", subcore_axis_name="s",
        num_cores=NCORES, num_subcores=NSUB)


def _sc_deg(edge_r):
    @functools.partial(
        pl.kernel,
        out_type=jax.ShapeDtypeStruct((NCORES * NP,), jnp.float32),
        mesh=_sc_mesh(),
        compiler_params=pltpu.CompilerParams(use_tc_tiling_on_sc=False),
        scratch_types=[
            pltpu.VMEM((NCH, CHE), jnp.int32),
            pltpu.VMEM((ONESZ,), jnp.float32),
            pltpu.VMEM((CZ,), jnp.float32),
            pltpu.VMEM_SHARED((NP,), jnp.float32),
        ],
    )
    def k(edge_hbm, out_hbm, idx_v, ones_v, zv_v, acc_sh):
        c = lax.axis_index("c")
        s = lax.axis_index("s")
        w = c * NSUB + s
        one16 = jnp.ones((16,), jnp.float32)
        zero16 = jnp.zeros((16,), jnp.float32)

        def fill_ones(q, carry):
            ones_v[pl.ds(q * 16, 16)] = one16
            return carry
        lax.fori_loop(0, ONESZ // 16, fill_ones, 0)

        def fill_z(i, carry):
            zv_v[pl.ds(i * 16, 16)] = zero16
            return carry
        lax.fori_loop(0, CZ // 16, fill_z, 0)

        def zacc(q, carry):
            pltpu.sync_copy(zv_v, acc_sh.at[pl.ds(s * PT + q * CZ, CZ)])
            return carry
        lax.fori_loop(0, PT // CZ, zacc, 0)

        pltpu.sync_copy(edge_hbm.at[1, w], idx_v)
        plsc.subcore_barrier()

        def body(t, carry):
            pltpu.sync_copy(ones_v.at[pl.ds(0, CHE)],
                            acc_sh.at[idx_v.at[t]], add=True)
            return carry
        lax.fori_loop(0, NCH, body, 0)

        plsc.subcore_barrier()

        def copy_out(q, carry):
            off = s * PT + q * CZ
            pltpu.sync_copy(acc_sh.at[pl.ds(off, CZ)], zv_v)
            pltpu.sync_copy(zv_v, out_hbm.at[pl.ds(c * NP + off, CZ)])
            return carry
        lax.fori_loop(0, PT // CZ, copy_out, 0)

    return k(edge_r).reshape(NCORES, NP)


def _sc_main(edge_r, semb, dinv):
    @functools.partial(
        pl.kernel,
        out_type=(jax.ShapeDtypeStruct((NCORES * NP, EMB), jnp.bfloat16),
                  jax.ShapeDtypeStruct((NCORES * NP,), jnp.float32)),
        mesh=_sc_mesh(),
        compiler_params=pltpu.CompilerParams(use_tc_tiling_on_sc=False),
        scratch_types=[
            pltpu.VMEM((NCH, CHE), jnp.int32),
            pltpu.VMEM((NCH, CHE), jnp.int32),
            pltpu.VMEM((CHE, EMB), jnp.bfloat16),
            pltpu.VMEM((CHE, EMB), jnp.bfloat16),
            pltpu.VMEM((CHE,), jnp.float32),
            pltpu.VMEM((CHE,), jnp.float32),
            pltpu.VMEM((CZ2, EMB), jnp.bfloat16),
            pltpu.VMEM((CZ2,), jnp.float32),
            pltpu.VMEM_SHARED((NP, EMB), jnp.bfloat16),
            pltpu.VMEM_SHARED((NP,), jnp.float32),
            pltpu.SemaphoreType.DMA,
            pltpu.SemaphoreType.DMA,
            pltpu.SemaphoreType.DMA,
            pltpu.SemaphoreType.DMA,
        ],
    )
    def k(edge_hbm, semb_hbm, dinv_hbm, agg_out, cs_out,
          srcb, dstb, rows0, rows1, vals0, vals1, zrows, zv,
          agg_sh, cs_sh, gsem0, gsem1, vsem0, vsem1):
        c = lax.axis_index("c")
        s = lax.axis_index("s")
        w = c * NSUB + s
        zero16 = jnp.zeros((16,), jnp.float32)
        zero32b = jnp.zeros((32,), jnp.bfloat16)

        def fill_zv(i, carry):
            zv[pl.ds(i * 16, 16)] = zero16
            return carry
        lax.fori_loop(0, CZ2 // 16, fill_zv, 0)

        def fill_zr(r, carry):
            zrows[r, pl.ds(0, EMB)] = zero32b
            return carry
        lax.fori_loop(0, CZ2, fill_zr, 0)

        def zacc(q, carry):
            off = s * PT + q * CZ2
            pltpu.sync_copy(zrows, agg_sh.at[pl.ds(off, CZ2), :])
            pltpu.sync_copy(zv, cs_sh.at[pl.ds(off, CZ2)])
            return carry
        lax.fori_loop(0, PT // CZ2, zacc, 0)

        pltpu.sync_copy(edge_hbm.at[0, w], srcb)
        pltpu.sync_copy(edge_hbm.at[1, w], dstb)
        plsc.subcore_barrier()

        pltpu.async_copy(semb_hbm.at[srcb.at[0]], rows0, gsem0)
        pltpu.async_copy(dinv_hbm.at[dstb.at[0]], vals0, vsem0)

        def pair(i, carry2):
            ja = 2 * i
            jb = ja + 1
            db = pltpu.async_copy(semb_hbm.at[srcb.at[jb]], rows1, gsem1)
            vb = pltpu.async_copy(dinv_hbm.at[dstb.at[jb]], vals1, vsem1)
            pltpu.make_async_copy(
                semb_hbm.at[srcb.at[ja]], rows0, gsem0).wait()
            pltpu.make_async_copy(
                dinv_hbm.at[dstb.at[ja]], vals0, vsem0).wait()
            pltpu.sync_copy(rows0, agg_sh.at[dstb.at[ja]], add=True)
            pltpu.sync_copy(vals0, cs_sh.at[srcb.at[ja]], add=True)

            @pl.when(i + 1 < NPAIR)
            def _():
                pltpu.async_copy(semb_hbm.at[srcb.at[ja + 2]], rows0, gsem0)
                pltpu.async_copy(dinv_hbm.at[dstb.at[ja + 2]], vals0, vsem0)
            db.wait()
            vb.wait()
            pltpu.sync_copy(rows1, agg_sh.at[dstb.at[jb]], add=True)
            pltpu.sync_copy(vals1, cs_sh.at[srcb.at[jb]], add=True)
            return carry2
        lax.fori_loop(0, NPAIR, pair, 0)

        plsc.subcore_barrier()

        def copy_out(q, carry):
            off = s * PT + q * CZ2
            pltpu.sync_copy(agg_sh.at[pl.ds(off, CZ2), :], zrows)
            pltpu.sync_copy(zrows, agg_out.at[pl.ds(c * NP + off, CZ2), :])
            pltpu.sync_copy(cs_sh.at[pl.ds(off, CZ2)], zv)
            pltpu.sync_copy(zv, cs_out.at[pl.ds(c * NP + off, CZ2)])
            return carry
        lax.fori_loop(0, PT // CZ2, copy_out, 0)

    return k(edge_r, semb, dinv)


def _tc_prep(degT, emb):
    def body(deg_ref, emb_ref, dinv_ref, semb_ref):
        d = deg_ref[...]
        deg = d[:, 0:1] + d[:, 1:2] + 1.0
        dv = lax.rsqrt(deg)
        dinv_ref[...] = dv
        semb_ref[...] = (emb_ref[...] * dv).astype(jnp.bfloat16)

    return pl.pallas_call(
        body,
        grid=(NB,),
        in_specs=[pl.BlockSpec((BN, 2), lambda i: (i, 0)),
                  pl.BlockSpec((BN, EMB), lambda i: (i, 0))],
        out_specs=[pl.BlockSpec((BN, 1), lambda i: (i, 0)),
                   pl.BlockSpec((BN, EMB), lambda i: (i, 0))],
        out_shape=[jax.ShapeDtypeStruct((NP, 1), jnp.float32),
                   jax.ShapeDtypeStruct((NP, EMB), jnp.bfloat16)],
    )(degT, emb)


def _tc_tail(agg2, cs2, dinv2, emb, W1, b1r, W2, b2r, category_emb,
             category_id, content_features, ce_W1, ce_b1r, ce_W2, ce_b2r,
             ln_g, ln_b, f1g, f1c, f1f, f1br, fc2_Wp, fc2_bp):
    def body(agg_a_ref, agg_b_ref, cs_ref, dv_ref, emb_ref,
             w1_ref, b1_ref, w2_ref, b2_ref, cemb_ref, cid_ref, cf_ref,
             cw1_ref, cb1_ref, cw2_ref, cb2_ref, g_ref, be_ref,
             f1g_ref, f1c_ref, f1f_ref, f1b_ref, fw_ref, fb_ref,
             o_ref, s_ref):
        i = pl.program_id(0)

        @pl.when(i < NB)
        def _():
            dv = dv_ref[...]
            a0 = (agg_a_ref[...] + agg_b_ref[...]).astype(jnp.float32)
            a = a0 * dv + emb_ref[...] * (dv * dv)
            rowid = i * BN + lax.broadcasted_iota(jnp.int32, (BN, 1), 0)
            valid = rowid < N
            a = jnp.where(valid, a, 0.0)
            h1 = jnp.maximum(
                lax.dot_general(a, w1_ref[...], (((1,), (1,)), ((), ())))
                + b1_ref[...], 0.0)
            q = jnp.where(valid, dv * dv, 0.0)
            laneid = i * BN + lax.broadcasted_iota(jnp.int32, (1, BN), 1)
            cs_a = cs_ref[pl.ds(i, 1), :]
            cs_b = cs_ref[pl.ds(i + NB, 1), :]
            csrow = jnp.where(laneid < N, cs_a + cs_b, 0.0)
            dvh1 = dv * h1
            sb = lax.dot_general(q, h1, (((0,), (0,)), ((), ()))) \
                + lax.dot_general(csrow, dvh1, (((1,), (0,)), ((), ())))

            @pl.when(i == 0)
            def _():
                s_ref[...] = jnp.zeros_like(s_ref)
            s_ref[...] += sb

        @pl.when(i >= NB)
        def _():
            gv = lax.dot_general(s_ref[...] * (1.0 / N), w2_ref[...],
                                 (((1,), (1,)), ((), ()))) + b2_ref[...]
            cid = cid_ref[0]
            rows = lax.broadcasted_iota(jnp.int32, (NCAT, EMB), 0)
            cat = jnp.sum(jnp.where(rows == cid, cemb_ref[...], 0.0),
                          axis=0, keepdims=True)
            cc = jnp.maximum(
                lax.dot_general(cf_ref[...], cw1_ref[...],
                                (((1,), (1,)), ((), ()))) + cb1_ref[...], 0.0)
            cc = lax.dot_general(cc, cw2_ref[...], (((1,), (1,)), ((), ()))) \
                + cb2_ref[...]
            mu = jnp.mean(cc, axis=1, keepdims=True)
            var = jnp.mean((cc - mu) * (cc - mu), axis=1, keepdims=True)
            cc = (cc - mu) * lax.rsqrt(var + 1e-5) * g_ref[...] + be_ref[...]
            z = jnp.maximum(
                lax.dot_general(gv, f1g_ref[...], (((1,), (1,)), ((), ())))
                + lax.dot_general(cat, f1c_ref[...], (((1,), (1,)), ((), ())))
                + lax.dot_general(cc, f1f_ref[...], (((1,), (1,)), ((), ())))
                + f1b_ref[...], 0.0)
            o = lax.dot_general(z, fw_ref[...], (((1,), (1,)), ((), ()))) \
                + fb_ref[...]
            o_ref[...] = jax.nn.sigmoid(o)

    full = lambda shape: pl.BlockSpec(shape, lambda i: tuple(0 for _ in shape))
    mid = lambda i: jnp.minimum(i, NB - 1)
    tail = lambda i: jnp.maximum(i - NB, 0)
    return pl.pallas_call(
        body,
        grid=(NB + NBC,),
        in_specs=[pl.BlockSpec((BN, EMB), lambda i: (mid(i), 0)),
                  pl.BlockSpec((BN, EMB), lambda i: (NB + mid(i), 0)),
                  pl.BlockSpec((2 * NB, BN), lambda i: (0, 0)),
                  pl.BlockSpec((BN, 1), lambda i: (mid(i), 0)),
                  pl.BlockSpec((BN, EMB), lambda i: (mid(i), 0)),
                  full((HID, EMB)), full((1, HID)),
                  full((HID, HID)), full((1, HID)),
                  full((NCAT, EMB)),
                  pl.BlockSpec(memory_space=pltpu.SMEM),
                  full((1, CFD)), full((HID, CFD)), full((1, HID)),
                  full((HID, HID)), full((1, HID)),
                  full((1, HID)), full((1, HID)),
                  full((HID, HID)), full((HID, EMB)), full((HID, HID)),
                  full((1, HID)),
                  pl.BlockSpec((BC, HID), lambda i: (tail(i), 0)),
                  pl.BlockSpec((1, BC), lambda i: (0, tail(i)))],
        out_specs=pl.BlockSpec((1, BC), lambda i: (0, tail(i))),
        out_shape=jax.ShapeDtypeStruct((1, N), jnp.float32),
        scratch_shapes=[pltpu.VMEM((1, HID), jnp.float32)],
    )(agg2, agg2, cs2, dinv2, emb, W1, b1r, W2, b2r, category_emb,
      category_id, content_features, ce_W1, ce_b1r, ce_W2, ce_b2r, ln_g,
      ln_b, f1g, f1c, f1f, f1br, fc2_Wp, fc2_bp)


def kernel(x, edge_index, category_id, content_features, node_emb,
           category_emb, W1, b1, W2, b2, ce_W1, ce_b1, ce_W2, ce_b2,
           ln_gamma, ln_beta, fc1_W, fc1_b, fc2_W, fc2_b):
    edge_r = edge_index.astype(jnp.int32).reshape(2, NTILES, NCH, CHE)

    deg = _sc_deg(edge_r)
    dinv2, semb = _tc_prep(deg.T, node_emb)
    agg2, cs = _sc_main(edge_r, semb, dinv2.reshape(NP))

    return _tc_tail(
        agg2, cs.reshape(2 * NB, BN), dinv2, node_emb, W1, b1.reshape(1, HID),
        W2, b2.reshape(1, HID), category_emb, category_id,
        content_features, ce_W1, ce_b1.reshape(1, HID), ce_W2,
        ce_b2.reshape(1, HID), ln_gamma.reshape(1, HID),
        ln_beta.reshape(1, HID),
        fc1_W[:, :HID], fc1_W[:, HID:HID + EMB], fc1_W[:, HID + EMB:],
        fc1_b.reshape(1, HID),
        fc2_W, fc2_b.reshape(1, N))

# --- scband reference (transcript-rebuilt; emitter-appended) ---
"""Pipeline reference for scband-viral-spread-gnn-25709674234518 (READ-ONLY COPY).

The authoritative reference and input builder live on the scoring server;
editing this copy changes nothing except your own understanding.
"""

import jax, jax.numpy as jnp
import numpy as np

N = 50000
E = 800000
EMB = 32
HID = 64
NCAT = 4
CFD = 8


def setup_inputs(seed: int = 0) -> dict:
    key = jax.random.key(seed)
    ks = jax.random.split(key, 16)
    inp = {}
    inp["x"] = jnp.arange(N, dtype=jnp.int32)
    inp["edge_index"] = jax.random.randint(ks[0], (2, E), 0, N, dtype=jnp.int32)
    inp["category_id"] = jax.random.randint(ks[1], (1,), 0, NCAT, dtype=jnp.int32)
    inp["content_features"] = jax.random.normal(ks[2], (1, CFD), dtype=jnp.float32)
    inp["node_emb"] = jax.random.normal(ks[3], (N, EMB), dtype=jnp.float32) * 0.02
    inp["category_emb"] = jax.random.normal(ks[4], (NCAT, EMB), dtype=jnp.float32) * 0.02
    inp["W1"] = jax.random.normal(ks[5], (HID, EMB), dtype=jnp.float32) * (1.0 / np.sqrt(EMB))
    inp["b1"] = jnp.zeros((HID,), dtype=jnp.float32)
    inp["W2"] = jax.random.normal(ks[6], (HID, HID), dtype=jnp.float32) * (1.0 / np.sqrt(HID))
    inp["b2"] = jnp.zeros((HID,), dtype=jnp.float32)
    inp["ce_W1"] = jax.random.normal(ks[7], (HID, CFD), dtype=jnp.float32) * (1.0 / np.sqrt(CFD))
    inp["ce_b1"] = jnp.zeros((HID,), dtype=jnp.float32)
    inp["ce_W2"] = jax.random.normal(ks[8], (HID, HID), dtype=jnp.float32) * (1.0 / np.sqrt(HID))
    inp["ce_b2"] = jnp.zeros((HID,), dtype=jnp.float32)
    inp["ln_gamma"] = jnp.ones((HID,), dtype=jnp.float32)
    inp["ln_beta"] = jnp.zeros((HID,), dtype=jnp.float32)
    FUSION = HID + EMB + HID
    inp["fc1_W"] = jax.random.normal(ks[9], (HID, FUSION), dtype=jnp.float32) * (1.0 / np.sqrt(FUSION))
    inp["fc1_b"] = jnp.zeros((HID,), dtype=jnp.float32)
    inp["fc2_W"] = jax.random.normal(ks[10], (N, HID), dtype=jnp.float32) * (1.0 / np.sqrt(HID))
    inp["fc2_b"] = jnp.zeros((N,), dtype=jnp.float32)
    return inp


def gcn_conv(x, edge_index, W, b, num_nodes):
    # PyG GCNConv: linear transform, add self-loops, symmetric deg^-1/2 A deg^-1/2 norm,
    # gather from src, scatter-add to dst, then add bias.
    src = edge_index[0]
    dst = edge_index[1]
    loop = jnp.arange(num_nodes, dtype=src.dtype)
    src = jnp.concatenate([src, loop])
    dst = jnp.concatenate([dst, loop])
    h = x @ W.T
    deg = jnp.zeros((num_nodes,), dtype=h.dtype).at[dst].add(1.0)
    dinv = jnp.where(deg > 0, 1.0 / jnp.sqrt(deg), 0.0)
    norm = dinv[src] * dinv[dst]
    msg = h[src] * norm[:, None]
    out = jnp.zeros((num_nodes, h.shape[1]), dtype=h.dtype).at[dst].add(msg)
    return out + b


def reference(x, edge_index, category_id, content_features, node_emb, category_emb, W1, b1, W2, b2, ce_W1, ce_b1, ce_W2, ce_b2, ln_gamma, ln_beta, fc1_W, fc1_b, fc2_W, fc2_b):
    h = node_emb[x]
    cat_vec = category_emb[category_id]
    h = gcn_conv(h, edge_index, W1, b1, N)
    h = jax.nn.relu(h)
    # dropout is identity in eval mode
    h = gcn_conv(h, edge_index, W2, b2, N)
    # global_mean_pool with batch = zeros -> mean over all nodes
    graph_vec = jnp.mean(h, axis=0, keepdims=True)
    # ContentEncoder: Linear -> ReLU -> (Dropout, eval=identity) -> Linear -> LayerNorm
    c = jax.nn.relu(content_features @ ce_W1.T + ce_b1)
    c = c @ ce_W2.T + ce_b2
    mu = jnp.mean(c, axis=-1, keepdims=True)
    var = jnp.var(c, axis=-1, keepdims=True)
    c = (c - mu) / jnp.sqrt(var + 1e-5) * ln_gamma + ln_beta
    combined = jnp.concatenate([graph_vec, cat_vec, c], axis=1)
    out = jax.nn.relu(combined @ fc1_W.T + fc1_b)
    out = out @ fc2_W.T + fc2_b
    return jax.nn.sigmoid(out)

if __name__ == "__main__":
    import jax
    _d = setup_inputs()
    print(jax.jit(kernel)(*tuple(_d.values())))

</pallas_src>

<mosaic_0001>
#map = affine_map<(d0, d1) -> (0, 0, 0, 0)>
#map1 = affine_map<(d0, d1) -> (0, 0)>
#map2 = affine_map<(d0, d1) -> (0)>
module attributes {stable_mosaic.version = 14 : i64} {
  func.func @k(%arg0: i32, %arg1: i32, %arg2: memref<2x32x50x500xi32, #tpu.memory_space<hbm>>, %arg3: memref<50176x32xbf16, #tpu.memory_space<hbm>>, %arg4: memref<50176xf32, #tpu.memory_space<hbm>>, %arg5: memref<100352x32xbf16, #tpu.memory_space<hbm>>, %arg6: memref<100352xf32, #tpu.memory_space<hbm>>, %arg7: memref<50x500xi32, #tpu.memory_space<vmem>>, %arg8: memref<50x500xi32, #tpu.memory_space<vmem>>, %arg9: memref<500x32xbf16, #tpu.memory_space<vmem>>, %arg10: memref<500x32xbf16, #tpu.memory_space<vmem>>, %arg11: memref<500xf32, #tpu.memory_space<vmem>>, %arg12: memref<500xf32, #tpu.memory_space<vmem>>, %arg13: memref<64x32xbf16, #tpu.memory_space<vmem>>, %arg14: memref<64xf32, #tpu.memory_space<vmem>>, %arg15: memref<50176x32xbf16, #tpu.memory_space<vmem_shared>>, %arg16: memref<50176xf32, #tpu.memory_space<vmem_shared>>, %arg17: memref<!tpu.dma_semaphore, #tpu.memory_space<semaphore_mem>>, %arg18: memref<!tpu.dma_semaphore, #tpu.memory_space<semaphore_mem>>, %arg19: memref<!tpu.dma_semaphore, #tpu.memory_space<semaphore_mem>>, %arg20: memref<!tpu.dma_semaphore, #tpu.memory_space<semaphore_mem>>) attributes {dimension_semantics = [#tpu.dimension_semantics<core_parallel>, #tpu.dimension_semantics<subcore_parallel>], iteration_bounds = array<i64: 2, 16>, scalar_prefetch = 0 : i64, scratch_operands = 14 : i64, tpu.core_type = #tpu.core_type<sc_vector_subcore>, window_params = [{transform_indices = #map}, {transform_indices = #map1}, {transform_indices = #map2}, {transform_indices = #map1}, {transform_indices = #map2}]} {
    %mul3A = arith.constant 16 : i32
    %mul3A_0 = arith.muli %arg0, %mul3A : i32
    %add3A = arith.addi %mul3A_0, %arg1 : i32
    %broadcast_in_dim3A = arith.constant 0.000000e+00 : f32
    %broadcast_in_dim3A_1 = vector.broadcast %broadcast_in_dim3A : f32 to vector<16xf32>
    %broadcast_in_dim3A_2 = arith.constant 0.000000e+00 : bf16
    %broadcast_in_dim3A_3 = vector.broadcast %broadcast_in_dim3A_2 : bf16 to vector<32xbf16>
    %scan3A = arith.constant 0 : i32
    %scan3A_4 = arith.constant 0 : i32
    %scan3A_5 = arith.constant 4 : i32
    %scan3A_6 = arith.addi %scan3A_4, %scan3A_5 : i32
    %scan3A_7 = arith.constant 1 : i32
    scf.for %scan3A_47 = %scan3A_4 to %scan3A_6 step %scan3A_7  : i32 {
      %mul3A_48 = arith.constant 16 : i32
      %mul3A_49 = arith.muli %scan3A_47, %mul3A_48 : i32
      %swap3A = arith.index_cast %mul3A_49 : i32 to index
      %swap3A_50 = tpu.vector_load %arg14[%swap3A] {strides = array<i32>} : memref<64xf32, #tpu.memory_space<vmem>>, vector<16xf32>,
      %swap3A_51 = vector.shape_cast %swap3A_50 : vector<16xf32> to vector<16xf32>
      %swap3A_52 = vector.shape_cast %broadcast_in_dim3A_1 : vector<16xf32> to vector<16xf32>
      tpu.vector_store %arg14[%swap3A], %swap3A_52 {strides = array<i32>} : memref<64xf32, #tpu.memory_space<vmem>>, vector<16xf32>,
    }
    %scan3A_8 = arith.constant 4 : i32
    %scan3A_9 = arith.constant 0 : i32
    %scan3A_10 = arith.constant 0 : i32
    %scan3A_11 = arith.constant 64 : i32
    %scan3A_12 = arith.addi %scan3A_10, %scan3A_11 : i32
    %scan3A_13 = arith.constant 1 : i32
    scf.for %scan3A_47 = %scan3A_10 to %scan3A_12 step %scan3A_13  : i32 {
      %swap3A = arith.index_cast %scan3A_47 : i32 to index
      %swap3A_48 = arith.constant 0 : index
      %swap3A_49 = tpu.vector_load %arg13[%swap3A, %swap3A_48] {strides = array<i32>} : memref<64x32xbf16, #tpu.memory_space<vmem>>, vector<1x32xbf16>,
      %swap3A_50 = vector.shape_cast %swap3A_49 : vector<1x32xbf16> to vector<32xbf16>
      %swap3A_51 = vector.shape_cast %broadcast_in_dim3A_3 : vector<32xbf16> to vector<1x32xbf16>
      tpu.vector_store %arg13[%swap3A, %swap3A_48], %swap3A_51 {strides = array<i32>} : memref<64x32xbf16, #tpu.memory_space<vmem>>, vector<1x32xbf16>,
    }
    %scan3A_14 = arith.constant 64 : i32
    %scan3A_15 = arith.constant 0 : i32
    %scan3A_16 = arith.constant 0 : i32
    %scan3A_17 = arith.constant 49 : i32
    %scan3A_18 = arith.addi %scan3A_16, %scan3A_17 : i32
    %scan3A_19 = arith.constant 1 : i32
    scf.for %scan3A_47 = %scan3A_16 to %scan3A_18 step %scan3A_19  : i32 {
      %mul3A_48 = arith.constant 3136 : i32
      %mul3A_49 = arith.muli %arg1, %mul3A_48 : i32
      %mul3A_50 = arith.constant 64 : i32
      %mul3A_51 = arith.muli %scan3A_47, %mul3A_50 : i32
      %add3A_52 = arith.addi %mul3A_49, %mul3A_51 : i32
      "tpu.region"() ({
        %run_scoped3A_53 = tpu.sem_alloc : memref<!tpu.dma_semaphore, #tpu.memory_space<semaphore_mem>>
        %dma_start3A_54 = arith.constant 0 : i32
        %dma_start3A_55 = tpu.memref_slice %arg15[%add3A_52, %dma_start3A_54] : memref<50176x32xbf16, #tpu.memory_space<vmem_shared>> -> memref<64x32xbf16, #tpu.memory_space<vmem_shared>>
        %dma_start3A_56 = arith.constant 0 : i32
        %dma_start3A_57 = tpu.memref_slice %arg15[%add3A_52, %dma_start3A_56] : memref<50176x32xbf16, #tpu.memory_space<vmem_shared>> -> memref<64x32xbf16, #tpu.memory_space<vmem_shared>>
        tpu.enqueue_dma source(%arg13 : memref<64x32xbf16, #tpu.memory_space<vmem>>) target(%dma_start3A_57 : memref<64x32xbf16, #tpu.memory_space<vmem_shared>>) target_semaphore(%run_scoped3A_53 : memref<!tpu.dma_semaphore, #tpu.memory_space<semaphore_mem>>)
        %dma_wait3A = arith.constant 0 : i32
        %dma_wait3A_58 = tpu.memref_slice %arg15[%add3A_52, %dma_wait3A] : memref<50176x32xbf16, #tpu.memory_space<vmem_shared>> -> memref<64x32xbf16, #tpu.memory_space<vmem_shared>>
        %dma_wait3A_59 = arith.constant 0 : i32
        %dma_wait3A_60 = tpu.memref_slice %arg15[%add3A_52, %dma_wait3A_59] : memref<50176x32xbf16, #tpu.memory_space<vmem_shared>> -> memref<64x32xbf16, #tpu.memory_space<vmem_shared>>
        tpu.wait_dma2 semaphore(%run_scoped3A_53 : memref<!tpu.dma_semaphore, #tpu.memory_space<semaphore_mem>>) src(%arg13 : memref<64x32xbf16, #tpu.memory_space<vmem>>) dst(%dma_wait3A_60 : memref<64x32xbf16, #tpu.memory_space<vmem_shared>>)
        tpu.yield
      }) : () -> ()
      "tpu.region"() ({
        %run_scoped3A_53 = tpu.sem_alloc : memref<!tpu.dma_semaphore, #tpu.memory_space<semaphore_mem>>
        %dma_start3A_54 = tpu.memref_slice %arg16[%add3A_52] : memref<50176xf32, #tpu.memory_space<vmem_shared>> -> memref<64xf32, #tpu.memory_space<vmem_shared>>
        %dma_start3A_55 = tpu.memref_slice %arg16[%add3A_52] : memref<50176xf32, #tpu.memory_space<vmem_shared>> -> memref<64xf32, #tpu.memory_space<vmem_shared>>
        tpu.enqueue_dma source(%arg14 : memref<64xf32, #tpu.memory_space<vmem>>) target(%dma_start3A_55 : memref<64xf32, #tpu.memory_space<vmem_shared>>) target_semaphore(%run_scoped3A_53 : memref<!tpu.dma_semaphore, #tpu.memory_space<semaphore_mem>>)
        %dma_wait3A = tpu.memref_slice %arg16[%add3A_52] : memref<50176xf32, #tpu.memory_space<vmem_shared>> -> memref<64xf32, #tpu.memory_space<vmem_shared>>
        %dma_wait3A_56 = tpu.memref_slice %arg16[%add3A_52] : memref<50176xf32, #tpu.memory_space<vmem_shared>> -> memref<64xf32, #tpu.memory_space<vmem_shared>>
        tpu.wait_dma2 semaphore(%run_scoped3A_53 : memref<!tpu.dma_semaphore, #tpu.memory_space<semaphore_mem>>) src(%arg14 : memref<64xf32, #tpu.memory_space<vmem>>) dst(%dma_wait3A_56 : memref<64xf32, #tpu.memory_space<vmem_shared>>)
        tpu.yield
      }) : () -> ()
    }
    %scan3A_20 = arith.constant 49 : i32
    %run_scoped3A = arith.constant 0 : i32
    "tpu.region"() ({
      %run_scoped3A_47 = tpu.sem_alloc : memref<!tpu.dma_semaphore, #tpu.memory_space<semaphore_mem>>
      %dma_start3A_48 = arith.constant 0 : i32
      %dma_start3A_49 = arith.constant 0 : i32
      %dma_start3A_50 = tpu.memref_slice %arg2[%run_scoped3A, %add3A, %dma_start3A_48, %dma_start3A_49] : memref<2x32x50x500xi32, #tpu.memory_space<hbm>> -> memref<1x1x50x500xi32, #tpu.memory_space<hbm>>
      %dma_start3A_51 = tpu.memref_squeeze %dma_start3A_50 : memref<1x1x50x500xi32, #tpu.memory_space<hbm>> -> memref<50x500xi32, #tpu.memory_space<hbm>>
      %dma_start3A_52 = arith.constant 0 : i32
      %dma_start3A_53 = arith.constant 0 : i32
      %dma_start3A_54 = tpu.memref_slice %arg2[%run_scoped3A, %add3A, %dma_start3A_52, %dma_start3A_53] : memref<2x32x50x500xi32, #tpu.memory_space<hbm>> -> memref<1x1x50x500xi32, #tpu.memory_space<hbm>>
      %dma_start3A_55 = tpu.memref_squeeze %dma_start3A_54 : memref<1x1x50x500xi32, #tpu.memory_space<hbm>> -> memref<50x500xi32, #tpu.memory_space<hbm>>
      tpu.enqueue_dma source(%dma_start3A_55 : memref<50x500xi32, #tpu.memory_space<hbm>>) target(%arg7 : memref<50x500xi32, #tpu.memory_space<vmem>>) target_semaphore(%run_scoped3A_47 : memref<!tpu.dma_semaphore, #tpu.memory_space<semaphore_mem>>)
      %dma_wait3A = arith.constant 0 : i32
      %dma_wait3A_56 = arith.constant 0 : i32
      %dma_wait3A_57 = tpu.memref_slice %arg2[%run_scoped3A, %add3A, %dma_wait3A, %dma_wait3A_56] : memref<2x32x50x500xi32, #tpu.memory_space<hbm>> -> memref<1x1x50x500xi32, #tpu.memory_space<hbm>>
      %dma_wait3A_58 = tpu.memref_squeeze %dma_wait3A_57 : memref<1x1x50x500xi32, #tpu.memory_space<hbm>> -> memref<50x500xi32, #tpu.memory_space<hbm>>
      %dma_wait3A_59 = arith.constant 0 : i32
      %dma_wait3A_60 = arith.constant 0 : i32
      %dma_wait3A_61 = tpu.memref_slice %arg2[%run_scoped3A, %add3A, %dma_wait3A_59, %dma_wait3A_60] : memref<2x32x50x500xi32, #tpu.memory_space<hbm>> -> memref<1x1x50x500xi32, #tpu.memory_space<hbm>>
      %dma_wait3A_62 = tpu.memref_squeeze %dma_wait3A_61 : memref<1x1x50x500xi32, #tpu.memory_space<hbm>> -> memref<50x500xi32, #tpu.memory_space<hbm>>
      tpu.wait_dma2 semaphore(%run_scoped3A_47 : memref<!tpu.dma_semaphore, #tpu.memory_space<semaphore_mem>>) src(%dma_wait3A_62 : memref<50x500xi32, #tpu.memory_space<hbm>>) dst(%arg7 : memref<50x500xi32, #tpu.memory_space<vmem>>)
      tpu.yield
    }) : () -> ()
    %run_scoped3A_21 = arith.constant 1 : i32
    "tpu.region"() ({
      %run_scoped3A_47 = tpu.sem_alloc : memref<!tpu.dma_semaphore, #tpu.memory_space<semaphore_mem>>
      %dma_start3A_48 = arith.constant 0 : i32
      %dma_start3A_49 = arith.constant 0 : i32
      %dma_start3A_50 = tpu.memref_slice %arg2[%run_scoped3A_21, %add3A, %dma_start3A_48, %dma_start3A_49] : memref<2x32x50x500xi32, #tpu.memory_space<hbm>> -> memref<1x1x50x500xi32, #tpu.memory_space<hbm>>
      %dma_start3A_51 = tpu.memref_squeeze %dma_start3A_50 : memref<1x1x50x500xi32, #tpu.memory_space<hbm>> -> memref<50x500xi32, #tpu.memory_space<hbm>>
      %dma_start3A_52 = arith.constant 0 : i32
      %dma_start3A_53 = arith.constant 0 : i32
      %dma_start3A_54 = tpu.memref_slice %arg2[%run_scoped3A_21, %add3A, %dma_start3A_52, %dma_start3A_53] : memref<2x32x50x500xi32, #tpu.memory_space<hbm>> -> memref<1x1x50x500xi32, #tpu.memory_space<hbm>>
      %dma_start3A_55 = tpu.memref_squeeze %dma_start3A_54 : memref<1x1x50x500xi32, #tpu.memory_space<hbm>> -> memref<50x500xi32, #tpu.memory_space<hbm>>
      tpu.enqueue_dma source(%dma_start3A_55 : memref<50x500xi32, #tpu.memory_space<hbm>>) target(%arg8 : memref<50x500xi32, #tpu.memory_space<vmem>>) target_semaphore(%run_scoped3A_47 : memref<!tpu.dma_semaphore, #tpu.memory_space<semaphore_mem>>)
      %dma_wait3A = arith.constant 0 : i32
      %dma_wait3A_56 = arith.constant 0 : i32
      %dma_wait3A_57 = tpu.memref_slice %arg2[%run_scoped3A_21, %add3A, %dma_wait3A, %dma_wait3A_56] : memref<2x32x50x500xi32, #tpu.memory_space<hbm>> -> memref<1x1x50x500xi32, #tpu.memory_space<hbm>>
      %dma_wait3A_58 = tpu.memref_squeeze %dma_wait3A_57 : memref<1x1x50x500xi32, #tpu.memory_space<hbm>> -> memref<50x500xi32, #tpu.memory_space<hbm>>
      %dma_wait3A_59 = arith.constant 0 : i32
      %dma_wait3A_60 = arith.constant 0 : i32
      %dma_wait3A_61 = tpu.memref_slice %arg2[%run_scoped3A_21, %add3A, %dma_wait3A_59, %dma_wait3A_60] : memref<2x32x50x500xi32, #tpu.memory_space<hbm>> -> memref<1x1x50x500xi32, #tpu.memory_space<hbm>>
      %dma_wait3A_62 = tpu.memref_squeeze %dma_wait3A_61 : memref<1x1x50x500xi32, #tpu.memory_space<hbm>> -> memref<50x500xi32, #tpu.memory_space<hbm>>
      tpu.wait_dma2 semaphore(%run_scoped3A_47 : memref<!tpu.dma_semaphore, #tpu.memory_space<semaphore_mem>>) src(%dma_wait3A_62 : memref<50x500xi32, #tpu.memory_space<hbm>>) dst(%arg8 : memref<50x500xi32, #tpu.memory_space<vmem>>)
      tpu.yield
    }) : () -> ()
    %barrier3A = arith.constant 0 : index
    tpu.barrier barrier_id(%barrier3A)
    %dma_start3A = arith.constant 0 : i32
    %dma_start3A_22 = arith.constant 0 : i32
    %dma_start3A_23 = tpu.memref_slice %arg7[%dma_start3A, %dma_start3A_22] : memref<50x500xi32, #tpu.memory_space<vmem>> -> memref<1x500xi32, #tpu.memory_space<vmem>>
    %dma_start3A_24 = tpu.memref_squeeze %dma_start3A_23 : memref<1x500xi32, #tpu.memory_space<vmem>> -> memref<500xi32, #tpu.memory_space<vmem>>
    %dma_start3A_25 = arith.constant 0 : i32
    %dma_start3A_26 = arith.constant 0 : i32
    %dma_start3A_27 = tpu.memref_slice %arg3[%dma_start3A_25, %dma_start3A_26] : memref<50176x32xbf16, #tpu.memory_space<hbm>> -> memref<50176x32xbf16, #tpu.memory_space<hbm>>
    tpu.enqueue_indirect_dma source(%dma_start3A_27 : memref<50176x32xbf16, #tpu.memory_space<hbm>>) target(%arg9 : memref<500x32xbf16, #tpu.memory_space<vmem>>) offsets(%dma_start3A_24 : memref<500xi32, #tpu.memory_space<vmem>>) semaphore(%arg17 : memref<!tpu.dma_semaphore, #tpu.memory_space<semaphore_mem>>)
    %dma_start3A_28 = arith.constant 0 : i32
    %dma_start3A_29 = arith.constant 0 : i32
    %dma_start3A_30 = tpu.memref_slice %arg8[%dma_start3A_28, %dma_start3A_29] : memref<50x500xi32, #tpu.memory_space<vmem>> -> memref<1x500xi32, #tpu.memory_space<vmem>>
    %dma_start3A_31 = tpu.memref_squeeze %dma_start3A_30 : memref<1x500xi32, #tpu.memory_space<vmem>> -> memref<500xi32, #tpu.memory_space<vmem>>
    %dma_start3A_32 = arith.constant 0 : i32
    %dma_start3A_33 = tpu.memref_slice %arg4[%dma_start3A_32] : memref<50176xf32, #tpu.memory_space<hbm>> -> memref<50176xf32, #tpu.memory_space<hbm>>
    tpu.enqueue_indirect_dma source(%dma_start3A_33 : memref<50176xf32, #tpu.memory_space<hbm>>) target(%arg11 : memref<500xf32, #tpu.memory_space<vmem>>) offsets(%dma_start3A_31 : memref<500xi32, #tpu.memory_space<vmem>>) semaphore(%arg19 : memref<!tpu.dma_semaphore, #tpu.memory_space<semaphore_mem>>)
    %scan3A_34 = arith.constant 0 : i32
    %scan3A_35 = arith.constant 0 : i32
    %scan3A_36 = arith.constant 25 : i32
    %scan3A_37 = arith.addi %scan3A_35, %scan3A_36 : i32
    %scan3A_38 = arith.constant 1 : i32
    scf.for %scan3A_47 = %scan3A_35 to %scan3A_37 step %scan3A_38  : i32 {
      %mul3A_48 = arith.constant 2 : i32
      %mul3A_49 = arith.muli %mul3A_48, %scan3A_47 : i32
      %add3A_50 = arith.constant 1 : i32
      %add3A_51 = arith.addi %mul3A_49, %add3A_50 : i32
      %dma_start3A_52 = arith.constant 0 : i32
      %dma_start3A_53 = tpu.memref_slice %arg7[%add3A_51, %dma_start3A_52] : memref<50x500xi32, #tpu.memory_space<vmem>> -> memref<1x500xi32, #tpu.memory_space<vmem>>
      %dma_start3A_54 = tpu.memref_squeeze %dma_start3A_53 : memref<1x500xi32, #tpu.memory_space<vmem>> -> memref<500xi32, #tpu.memory_space<vmem>>
      %dma_start3A_55 = arith.constant 0 : i32
      %dma_start3A_56 = arith.constant 0 : i32
      %dma_start3A_57 = tpu.memref_slice %arg3[%dma_start3A_55, %dma_start3A_56] : memref<50176x32xbf16, #tpu.memory_space<hbm>> -> memref<50176x32xbf16, #tpu.memory_space<hbm>>
      tpu.enqueue_indirect_dma source(%dma_start3A_57 : memref<50176x32xbf16, #tpu.memory_space<hbm>>) target(%arg10 : memref<500x32xbf16, #tpu.memory_space<vmem>>) offsets(%dma_start3A_54 : memref<500xi32, #tpu.memory_space<vmem>>) semaphore(%arg18 : memref<!tpu.dma_semaphore, #tpu.memory_space<semaphore_mem>>)
      %dma_start3A_58 = arith.constant 0 : i32
      %dma_start3A_59 = tpu.memref_slice %arg8[%add3A_51, %dma_start3A_58] : memref<50x500xi32, #tpu.memory_space<vmem>> -> memref<1x500xi32, #tpu.memory_space<vmem>>
      %dma_start3A_60 = tpu.memref_squeeze %dma_start3A_59 : memref<1x500xi32, #tpu.memory_space<vmem>> -> memref<500xi32, #tpu.memory_space<vmem>>
      %dma_start3A_61 = arith.constant 0 : i32
      %dma_start3A_62 = tpu.memref_slice %arg4[%dma_start3A_61] : memref<50176xf32, #tpu.memory_space<hbm>> -> memref<50176xf32, #tpu.memory_space<hbm>>
      tpu.enqueue_indirect_dma source(%dma_start3A_62 : memref<50176xf32, #tpu.memory_space<hbm>>) target(%arg12 : memref<500xf32, #tpu.memory_space<vmem>>) offsets(%dma_start3A_60 : memref<500xi32, #tpu.memory_space<vmem>>) semaphore(%arg20 : memref<!tpu.dma_semaphore, #tpu.memory_space<semaphore_mem>>)
      %dma_wait3A = arith.constant 0 : i32
      %dma_wait3A_63 = tpu.memref_slice %arg7[%mul3A_49, %dma_wait3A] : memref<50x500xi32, #tpu.memory_space<vmem>> -> memref<1x500xi32, #tpu.memory_space<vmem>>
      %dma_wait3A_64 = tpu.memref_squeeze %dma_wait3A_63 : memref<1x500xi32, #tpu.memory_space<vmem>> -> memref<500xi32, #tpu.memory_space<vmem>>
      %dma_wait3A_65 = arith.constant 0 : i32
      %dma_wait3A_66 = arith.constant 0 : i32
      %dma_wait3A_67 = tpu.memref_slice %arg3[%dma_wait3A_65, %dma_wait3A_66] : memref<50176x32xbf16, #tpu.memory_space<hbm>> -> memref<50176x32xbf16, #tpu.memory_space<hbm>>
      tpu.wait_indirect_dma semaphore(%arg17 : memref<!tpu.dma_semaphore, #tpu.memory_space<semaphore_mem>>) src(%dma_wait3A_67 : memref<50176x32xbf16, #tpu.memory_space<hbm>>) dst(%arg9 : memref<500x32xbf16, #tpu.memory_space<vmem>>)
      %dma_wait3A_68 = arith.constant 0 : i32
      %dma_wait3A_69 = tpu.memref_slice %arg8[%mul3A_49, %dma_wait3A_68] : memref<50x500xi32, #tpu.memory_space<vmem>> -> memref<1x500xi32, #tpu.memory_space<vmem>>
      %dma_wait3A_70 = tpu.memref_squeeze %dma_wait3A_69 : memref<1x500xi32, #tpu.memory_space<vmem>> -> memref<500xi32, #tpu.memory_space<vmem>>
      %dma_wait3A_71 = arith.constant 0 : i32
      %dma_wait3A_72 = tpu.memref_slice %arg4[%dma_wait3A_71] : memref<50176xf32, #tpu.memory_space<hbm>> -> memref<50176xf32, #tpu.memory_space<hbm>>
      tpu.wait_indirect_dma semaphore(%arg19 : memref<!tpu.dma_semaphore, #tpu.memory_space<semaphore_mem>>) src(%dma_wait3A_72 : memref<50176xf32, #tpu.memory_space<hbm>>) dst(%arg11 : memref<500xf32, #tpu.memory_space<vmem>>)
      "tpu.region"() ({
        %run_scoped3A_88 = tpu.sem_alloc : memref<!tpu.dma_semaphore, #tpu.memory_space<semaphore_mem>>
        %dma_start3A_89 = arith.constant 0 : i32
        %dma_start3A_90 = tpu.memref_slice %arg8[%mul3A_49, %dma_start3A_89] : memref<50x500xi32, #tpu.memory_space<vmem>> -> memref<1x500xi32, #tpu.memory_space<vmem>>
        %dma_start3A_91 = tpu.memref_squeeze %dma_start3A_90 : memref<1x500xi32, #tpu.memory_space<vmem>> -> memref<500xi32, #tpu.memory_space<vmem>>
        %dma_start3A_92 = arith.constant 0 : i32
        %dma_start3A_93 = arith.constant 0 : i32
        %dma_start3A_94 = tpu.memref_slice %arg15[%dma_start3A_92, %dma_start3A_93] : memref<50176x32xbf16, #tpu.memory_space<vmem_shared>> -> memref<50176x32xbf16, #tpu.memory_space<vmem_shared>>
        tpu.enqueue_indirect_dma source(%arg9 : memref<500x32xbf16, #tpu.memory_space<vmem>>) target(%dma_start3A_94 : memref<50176x32xbf16, #tpu.memory_space<vmem_shared>>) offsets(%dma_start3A_91 : memref<500xi32, #tpu.memory_space<vmem>>) semaphore(%run_scoped3A_88 : memref<!tpu.dma_semaphore, #tpu.memory_space<semaphore_mem>>) {add = true}
        %dma_wait3A_95 = arith.constant 0 : i32
        %dma_wait3A_96 = tpu.memref_slice %arg8[%mul3A_49, %dma_wait3A_95] : memref<50x500xi32, #tpu.memory_space<vmem>> -> memref<1x500xi32, #tpu.memory_space<vmem>>
        %dma_wait3A_97 = tpu.memref_squeeze %dma_wait3A_96 : memref<1x500xi32, #tpu.memory_space<vmem>> -> memref<500xi32, #tpu.memory_space<vmem>>
        %dma_wait3A_98 = arith.constant 0 : i32
        %dma_wait3A_99 = arith.constant 0 : i32
        %dma_wait3A_100 = tpu.memref_slice %arg15[%dma_wait3A_98, %dma_wait3A_99] : memref<50176x32xbf16, #tpu.memory_space<vmem_shared>> -> memref<50176x32xbf16, #tpu.memory_space<vmem_shared>>
        tpu.wait_indirect_dma semaphore(%run_scoped3A_88 : memref<!tpu.dma_semaphore, #tpu.memory_space<semaphore_mem>>) src(%arg9 : memref<500x32xbf16, #tpu.memory_space<vmem>>) dst(%dma_wait3A_100 : memref<50176x32xbf16, #tpu.memory_space<vmem_shared>>)
        tpu.yield
      }) : () -> ()
      "tpu.region"() ({
        %run_scoped3A_88 = tpu.sem_alloc : memref<!tpu.dma_semaphore, #tpu.memory_space<semaphore_mem>>
        %dma_start3A_89 = arith.constant 0 : i32
        %dma_start3A_90 = tpu.memref_slice %arg7[%mul3A_49, %dma_start3A_89] : memref<50x500xi32, #tpu.memory_space<vmem>> -> memref<1x500xi32, #tpu.memory_space<vmem>>
        %dma_start3A_91 = tpu.memref_squeeze %dma_start3A_90 : memref<1x500xi32, #tpu.memory_space<vmem>> -> memref<500xi32, #tpu.memory_space<vmem>>
        %dma_start3A_92 = arith.constant 0 : i32
        %dma_start3A_93 = tpu.memref_slice %arg16[%dma_start3A_92] : memref<50176xf32, #tpu.memory_space<vmem_shared>> -> memref<50176xf32, #tpu.memory_space<vmem_shared>>
        tpu.enqueue_indirect_dma source(%arg11 : memref<500xf32, #tpu.memory_space<vmem>>) target(%dma_start3A_93 : memref<50176xf32, #tpu.memory_space<vmem_shared>>) offsets(%dma_start3A_91 : memref<500xi32, #tpu.memory_space<vmem>>) semaphore(%run_scoped3A_88 : memref<!tpu.dma_semaphore, #tpu.memory_space<semaphore_mem>>) {add = true}
        %dma_wait3A_94 = arith.constant 0 : i32
        %dma_wait3A_95 = tpu.memref_slice %arg7[%mul3A_49, %dma_wait3A_94] : memref<50x500xi32, #tpu.memory_space<vmem>> -> memref<1x500xi32, #tpu.memory_space<vmem>>
        %dma_wait3A_96 = tpu.memref_squeeze %dma_wait3A_95 : memref<1x500xi32, #tpu.memory_space<vmem>> -> memref<500xi32, #tpu.memory_space<vmem>>
        %dma_wait3A_97 = arith.constant 0 : i32
        %dma_wait3A_98 = tpu.memref_slice %arg16[%dma_wait3A_97] : memref<50176xf32, #tpu.memory_space<vmem_shared>> -> memref<50176xf32, #tpu.memory_space<vmem_shared>>
        tpu.wait_indirect_dma semaphore(%run_scoped3A_88 : memref<!tpu.dma_semaphore, #tpu.memory_space<semaphore_mem>>) src(%arg11 : memref<500xf32, #tpu.memory_space<vmem>>) dst(%dma_wait3A_98 : memref<50176xf32, #tpu.memory_space<vmem_shared>>)
        tpu.yield
      }) : () -> ()
      %add3A_73 = arith.constant 1 : i32
      %add3A_74 = arith.addi %scan3A_47, %add3A_73 : i32
      %lt3A = arith.constant 25 : i32
      %lt3A_75 = arith.cmpi slt, %add3A_74, %lt3A : i32
      %convert_element_type3A = arith.extui %lt3A_75 : i1 to i32
      %cond3A = arith.constant 0 : i32
      %cond3A_76 = arith.cmpi ne, %convert_element_type3A, %cond3A : i32
      scf.if %cond3A_76 {
        %add3A_88 = arith.constant 2 : i32
        %add3A_89 = arith.addi %mul3A_49, %add3A_88 : i32
        %dma_start3A_90 = arith.constant 0 : i32
        %dma_start3A_91 = tpu.memref_slice %arg7[%add3A_89, %dma_start3A_90] : memref<50x500xi32, #tpu.memory_space<vmem>> -> memref<1x500xi32, #tpu.memory_space<vmem>>
        %dma_start3A_92 = tpu.memref_squeeze %dma_start3A_91 : memref<1x500xi32, #tpu.memory_space<vmem>> -> memref<500xi32, #tpu.memory_space<vmem>>
        %dma_start3A_93 = arith.constant 0 : i32
        %dma_start3A_94 = arith.constant 0 : i32
        %dma_start3A_95 = tpu.memref_slice %arg3[%dma_start3A_93, %dma_start3A_94] : memref<50176x32xbf16, #tpu.memory_space<hbm>> -> memref<50176x32xbf16, #tpu.memory_space<hbm>>
        tpu.enqueue_indirect_dma source(%dma_start3A_95 : memref<50176x32xbf16, #tpu.memory_space<hbm>>) target(%arg9 : memref<500x32xbf16, #tpu.memory_space<vmem>>) offsets(%dma_start3A_92 : memref<500xi32, #tpu.memory_space<vmem>>) semaphore(%arg17 : memref<!tpu.dma_semaphore, #tpu.memory_space<semaphore_mem>>)
        %add3A_96 = arith.constant 2 : i32
        %add3A_97 = arith.addi %mul3A_49, %add3A_96 : i32
        %dma_start3A_98 = arith.constant 0 : i32
        %dma_start3A_99 = tpu.memref_slice %arg8[%add3A_97, %dma_start3A_98] : memref<50x500xi32, #tpu.memory_space<vmem>> -> memref<1x500xi32, #tpu.memory_space<vmem>>
        %dma_start3A_100 = tpu.memref_squeeze %dma_start3A_99 : memref<1x500xi32, #tpu.memory_space<vmem>> -> memref<500xi32, #tpu.memory_space<vmem>>
        %dma_start3A_101 = arith.constant 0 : i32
        %dma_start3A_102 = tpu.memref_slice %arg4[%dma_start3A_101] : memref<50176xf32, #tpu.memory_space<hbm>> -> memref<50176xf32, #tpu.memory_space<hbm>>
        tpu.enqueue_indirect_dma source(%dma_start3A_102 : memref<50176xf32, #tpu.memory_space<hbm>>) target(%arg11 : memref<500xf32, #tpu.memory_space<vmem>>) offsets(%dma_start3A_100 : memref<500xi32, #tpu.memory_space<vmem>>) semaphore(%arg19 : memref<!tpu.dma_semaphore, #tpu.memory_space<semaphore_mem>>)
      } else {
      }
      %dma_wait3A_77 = arith.constant 0 : i32
      %dma_wait3A_78 = tpu.memref_slice %arg7[%add3A_51, %dma_wait3A_77] : memref<50x500xi32, #tpu.memory_space<vmem>> -> memref<1x500xi32, #tpu.memory_space<vmem>>
      %dma_wait3A_79 = tpu.memref_squeeze %dma_wait3A_78 : memref<1x500xi32, #tpu.memory_space<vmem>> -> memref<500xi32, #tpu.memory_space<vmem>>
      %dma_wait3A_80 = arith.constant 0 : i32
      %dma_wait3A_81 = arith.constant 0 : i32
      %dma_wait3A_82 = tpu.memref_slice %arg3[%dma_wait3A_80, %dma_wait3A_81] : memref<50176x32xbf16, #tpu.memory_space<hbm>> -> memref<50176x32xbf16, #tpu.memory_space<hbm>>
      tpu.wait_indirect_dma semaphore(%arg18 : memref<!tpu.dma_semaphore, #tpu.memory_space<semaphore_mem>>) src(%dma_wait3A_82 : memref<50176x32xbf16, #tpu.memory_space<hbm>>) dst(%arg10 : memref<500x32xbf16, #tpu.memory_space<vmem>>)
      %dma_wait3A_83 = arith.constant 0 : i32
      %dma_wait3A_84 = tpu.memref_slice %arg8[%add3A_51, %dma_wait3A_83] : memref<50x500xi32, #tpu.memory_space<vmem>> -> memref<1x500xi32, #tpu.memory_space<vmem>>
      %dma_wait3A_85 = tpu.memref_squeeze %dma_wait3A_84 : memref<1x500xi32, #tpu.memory_space<vmem>> -> memref<500xi32, #tpu.memory_space<vmem>>
      %dma_wait3A_86 = arith.constant 0 : i32
      %dma_wait3A_87 = tpu.memref_slice %arg4[%dma_wait3A_86] : memref<50176xf32, #tpu.memory_space<hbm>> -> memref<50176xf32, #tpu.memory_space<hbm>>
      tpu.wait_indirect_dma semaphore(%arg20 : memref<!tpu.dma_semaphore, #tpu.memory_space<semaphore_mem>>) src(%dma_wait3A_87 : memref<50176xf32, #tpu.memory_space<hbm>>) dst(%arg12 : memref<500xf32, #tpu.memory_space<vmem>>)
      "tpu.region"() ({
        %run_scoped3A_88 = tpu.sem_alloc : memref<!tpu.dma_semaphore, #tpu.memory_space<semaphore_mem>>
        %dma_start3A_89 = arith.constant 0 : i32
        %dma_start3A_90 = tpu.memref_slice %arg8[%add3A_51, %dma_start3A_89] : memref<50x500xi32, #tpu.memory_space<vmem>> -> memref<1x500xi32, #tpu.memory_space<vmem>>
        %dma_start3A_91 = tpu.memref_squeeze %dma_start3A_90 : memref<1x500xi32, #tpu.memory_space<vmem>> -> memref<500xi32, #tpu.memory_space<vmem>>
        %dma_start3A_92 = arith.constant 0 : i32
        %dma_start3A_93 = arith.constant 0 : i32
        %dma_start3A_94 = tpu.memref_slice %arg15[%dma_start3A_92, %dma_start3A_93] : memref<50176x32xbf16, #tpu.memory_space<vmem_shared>> -> memref<50176x32xbf16, #tpu.memory_space<vmem_shared>>
        tpu.enqueue_indirect_dma source(%arg10 : memref<500x32xbf16, #tpu.memory_space<vmem>>) target(%dma_start3A_94 : memref<50176x32xbf16, #tpu.memory_space<vmem_shared>>) offsets(%dma_start3A_91 : memref<500xi32, #tpu.memory_space<vmem>>) semaphore(%run_scoped3A_88 : memref<!tpu.dma_semaphore, #tpu.memory_space<semaphore_mem>>) {add = true}
        %dma_wait3A_95 = arith.constant 0 : i32
        %dma_wait3A_96 = tpu.memref_slice %arg8[%add3A_51, %dma_wait3A_95] : memref<50x500xi32, #tpu.memory_space<vmem>> -> memref<1x500xi32, #tpu.memory_space<vmem>>
        %dma_wait3A_97 = tpu.memref_squeeze %dma_wait3A_96 : memref<1x500xi32, #tpu.memory_space<vmem>> -> memref<500xi32, #tpu.memory_space<vmem>>
        %dma_wait3A_98 = arith.constant 0 : i32
        %dma_wait3A_99 = arith.constant 0 : i32
        %dma_wait3A_100 = tpu.memref_slice %arg15[%dma_wait3A_98, %dma_wait3A_99] : memref<50176x32xbf16, #tpu.memory_space<vmem_shared>> -> memref<50176x32xbf16, #tpu.memory_space<vmem_shared>>
        tpu.wait_indirect_dma semaphore(%run_scoped3A_88 : memref<!tpu.dma_semaphore, #tpu.memory_space<semaphore_mem>>) src(%arg10 : memref<500x32xbf16, #tpu.memory_space<vmem>>) dst(%dma_wait3A_100 : memref<50176x32xbf16, #tpu.memory_space<vmem_shared>>)
        tpu.yield
      }) : () -> ()
      "tpu.region"() ({
        %run_scoped3A_88 = tpu.sem_alloc : memref<!tpu.dma_semaphore, #tpu.memory_space<semaphore_mem>>
        %dma_start3A_89 = arith.constant 0 : i32
        %dma_start3A_90 = tpu.memref_slice %arg7[%add3A_51, %dma_start3A_89] : memref<50x500xi32, #tpu.memory_space<vmem>> -> memref<1x500xi32, #tpu.memory_space<vmem>>
        %dma_start3A_91 = tpu.memref_squeeze %dma_start3A_90 : memref<1x500xi32, #tpu.memory_space<vmem>> -> memref<500xi32, #tpu.memory_space<vmem>>
        %dma_start3A_92 = arith.constant 0 : i32
        %dma_start3A_93 = tpu.memref_slice %arg16[%dma_start3A_92] : memref<50176xf32, #tpu.memory_space<vmem_shared>> -> memref<50176xf32, #tpu.memory_space<vmem_shared>>
        tpu.enqueue_indirect_dma source(%arg12 : memref<500xf32, #tpu.memory_space<vmem>>) target(%dma_start3A_93 : memref<50176xf32, #tpu.memory_space<vmem_shared>>) offsets(%dma_start3A_91 : memref<500xi32, #tpu.memory_space<vmem>>) semaphore(%run_scoped3A_88 : memref<!tpu.dma_semaphore, #tpu.memory_space<semaphore_mem>>) {add = true}
        %dma_wait3A_94 = arith.constant 0 : i32
        %dma_wait3A_95 = tpu.memref_slice %arg7[%add3A_51, %dma_wait3A_94] : memref<50x500xi32, #tpu.memory_space<vmem>> -> memref<1x500xi32, #tpu.memory_space<vmem>>
        %dma_wait3A_96 = tpu.memref_squeeze %dma_wait3A_95 : memref<1x500xi32, #tpu.memory_space<vmem>> -> memref<500xi32, #tpu.memory_space<vmem>>
        %dma_wait3A_97 = arith.constant 0 : i32
        %dma_wait3A_98 = tpu.memref_slice %arg16[%dma_wait3A_97] : memref<50176xf32, #tpu.memory_space<vmem_shared>> -> memref<50176xf32, #tpu.memory_space<vmem_shared>>
        tpu.wait_indirect_dma semaphore(%run_scoped3A_88 : memref<!tpu.dma_semaphore, #tpu.memory_space<semaphore_mem>>) src(%arg12 : memref<500xf32, #tpu.memory_space<vmem>>) dst(%dma_wait3A_98 : memref<50176xf32, #tpu.memory_space<vmem_shared>>)
        tpu.yield
      }) : () -> ()
    }
    %scan3A_39 = arith.constant 25 : i32
    %barrier3A_40 = arith.constant 0 : index
    tpu.barrier barrier_id(%barrier3A_40)
    %scan3A_41 = arith.constant 0 : i32
    %scan3A_42 = arith.constant 0 : i32
    %scan3A_43 = arith.constant 49 : i32
    %scan3A_44 = arith.addi %scan3A_42, %scan3A_43 : i32
    %scan3A_45 = arith.constant 1 : i32
    scf.for %scan3A_47 = %scan3A_42 to %scan3A_44 step %scan3A_45  : i32 {
      %mul3A_48 = arith.constant 3136 : i32
      %mul3A_49 = arith.muli %arg1, %mul3A_48 : i32
      %mul3A_50 = arith.constant 64 : i32
      %mul3A_51 = arith.muli %scan3A_47, %mul3A_50 : i32
      %add3A_52 = arith.addi %mul3A_49, %mul3A_51 : i32
      "tpu.region"() ({
        %run_scoped3A_59 = tpu.sem_alloc : memref<!tpu.dma_semaphore, #tpu.memory_space<semaphore_mem>>
        %dma_start3A_60 = arith.constant 0 : i32
        %dma_start3A_61 = tpu.memref_slice %arg15[%add3A_52, %dma_start3A_60] : memref<50176x32xbf16, #tpu.memory_space<vmem_shared>> -> memref<64x32xbf16, #tpu.memory_space<vmem_shared>>
        %dma_start3A_62 = arith.constant 0 : i32
        %dma_start3A_63 = tpu.memref_slice %arg15[%add3A_52, %dma_start3A_62] : memref<50176x32xbf16, #tpu.memory_space<vmem_shared>> -> memref<64x32xbf16, #tpu.memory_space<vmem_shared>>
        tpu.enqueue_dma source(%dma_start3A_63 : memref<64x32xbf16, #tpu.memory_space<vmem_shared>>) target(%arg13 : memref<64x32xbf16, #tpu.memory_space<vmem>>) target_semaphore(%run_scoped3A_59 : memref<!tpu.dma_semaphore, #tpu.memory_space<semaphore_mem>>)
        %dma_wait3A = arith.constant 0 : i32
        %dma_wait3A_64 = tpu.memref_slice %arg15[%add3A_52, %dma_wait3A] : memref<50176x32xbf16, #tpu.memory_space<vmem_shared>> -> memref<64x32xbf16, #tpu.memory_space<vmem_shared>>
        %dma_wait3A_65 = arith.constant 0 : i32
        %dma_wait3A_66 = tpu.memref_slice %arg15[%add3A_52, %dma_wait3A_65] : memref<50176x32xbf16, #tpu.memory_space<vmem_shared>> -> memref<64x32xbf16, #tpu.memory_space<vmem_shared>>
        tpu.wait_dma2 semaphore(%run_scoped3A_59 : memref<!tpu.dma_semaphore, #tpu.memory_space<semaphore_mem>>) src(%dma_wait3A_66 : memref<64x32xbf16, #tpu.memory_space<vmem_shared>>) dst(%arg13 : memref<64x32xbf16, #tpu.memory_space<vmem>>)
        tpu.yield
      }) : () -> ()
      %mul3A_53 = arith.constant 50176 : i32
      %mul3A_54 = arith.muli %arg0, %mul3A_53 : i32
      %add3A_55 = arith.addi %mul3A_54, %add3A_52 : i32
      "tpu.region"() ({
        %run_scoped3A_59 = tpu.sem_alloc : memref<!tpu.dma_semaphore, #tpu.memory_space<semaphore_mem>>
        %dma_start3A_60 = arith.constant 0 : i32
        %dma_start3A_61 = tpu.memref_slice %arg5[%add3A_55, %dma_start3A_60] : memref<100352x32xbf16, #tpu.memory_space<hbm>> -> memref<64x32xbf16, #tpu.memory_space<hbm>>
        %dma_start3A_62 = arith.constant 0 : i32
        %dma_start3A_63 = tpu.memref_slice %arg5[%add3A_55, %dma_start3A_62] : memref<100352x32xbf16, #tpu.memory_space<hbm>> -> memref<64x32xbf16, #tpu.memory_space<hbm>>
        tpu.enqueue_dma source(%arg13 : memref<64x32xbf16, #tpu.memory_space<vmem>>) target(%dma_start3A_63 : memref<64x32xbf16, #tpu.memory_space<hbm>>) target_semaphore(%run_scoped3A_59 : memref<!tpu.dma_semaphore, #tpu.memory_space<semaphore_mem>>)
        %dma_wait3A = arith.constant 0 : i32
        %dma_wait3A_64 = tpu.memref_slice %arg5[%add3A_55, %dma_wait3A] : memref<100352x32xbf16, #tpu.memory_space<hbm>> -> memref<64x32xbf16, #tpu.memory_space<hbm>>
        %dma_wait3A_65 = arith.constant 0 : i32
        %dma_wait3A_66 = tpu.memref_slice %arg5[%add3A_55, %dma_wait3A_65] : memref<100352x32xbf16, #tpu.memory_space<hbm>> -> memref<64x32xbf16, #tpu.memory_space<hbm>>
        tpu.wait_dma2 semaphore(%run_scoped3A_59 : memref<!tpu.dma_semaphore, #tpu.memory_space<semaphore_mem>>) src(%arg13 : memref<64x32xbf16, #tpu.memory_space<vmem>>) dst(%dma_wait3A_66 : memref<64x32xbf16, #tpu.memory_space<hbm>>)
        tpu.yield
      }) : () -> ()
      "tpu.region"() ({
        %run_scoped3A_59 = tpu.sem_alloc : memref<!tpu.dma_semaphore, #tpu.memory_space<semaphore_mem>>
        %dma_start3A_60 = tpu.memref_slice %arg16[%add3A_52] : memref<50176xf32, #tpu.memory_space<vmem_shared>> -> memref<64xf32, #tpu.memory_space<vmem_shared>>
        %dma_start3A_61 = tpu.memref_slice %arg16[%add3A_52] : memref<50176xf32, #tpu.memory_space<vmem_shared>> -> memref<64xf32, #tpu.memory_space<vmem_shared>>
        tpu.enqueue_dma source(%dma_start3A_61 : memref<64xf32, #tpu.memory_space<vmem_shared>>) target(%arg14 : memref<64xf32, #tpu.memory_space<vmem>>) target_semaphore(%run_scoped3A_59 : memref<!tpu.dma_semaphore, #tpu.memory_space<semaphore_mem>>)
        %dma_wait3A = tpu.memref_slice %arg16[%add3A_52] : memref<50176xf32, #tpu.memory_space<vmem_shared>> -> memref<64xf32, #tpu.memory_space<vmem_shared>>
        %dma_wait3A_62 = tpu.memref_slice %arg16[%add3A_52] : memref<50176xf32, #tpu.memory_space<vmem_shared>> -> memref<64xf32, #tpu.memory_space<vmem_shared>>
        tpu.wait_dma2 semaphore(%run_scoped3A_59 : memref<!tpu.dma_semaphore, #tpu.memory_space<semaphore_mem>>) src(%dma_wait3A_62 : memref<64xf32, #tpu.memory_space<vmem_shared>>) dst(%arg14 : memref<64xf32, #tpu.memory_space<vmem>>)
        tpu.yield
      }) : () -> ()
      %mul3A_56 = arith.constant 50176 : i32
      %mul3A_57 = arith.muli %arg0, %mul3A_56 : i32
      %add3A_58 = arith.addi %mul3A_57, %add3A_52 : i32
      "tpu.region"() ({
        %run_scoped3A_59 = tpu.sem_alloc : memref<!tpu.dma_semaphore, #tpu.memory_space<semaphore_mem>>
        %dma_start3A_60 = tpu.memref_slice %arg6[%add3A_58] : memref<100352xf32, #tpu.memory_space<hbm>> -> memref<64xf32, #tpu.memory_space<hbm>>
        %dma_start3A_61 = tpu.memref_slice %arg6[%add3A_58] : memref<100352xf32, #tpu.memory_space<hbm>> -> memref<64xf32, #tpu.memory_space<hbm>>
        tpu.enqueue_dma source(%arg14 : memref<64xf32, #tpu.memory_space<vmem>>) target(%dma_start3A_61 : memref<64xf32, #tpu.memory_space<hbm>>) target_semaphore(%run_scoped3A_59 : memref<!tpu.dma_semaphore, #tpu.memory_space<semaphore_mem>>)
        %dma_wait3A = tpu.memref_slice %arg6[%add3A_58] : memref<100352xf32, #tpu.memory_space<hbm>> -> memref<64xf32, #tpu.memory_space<hbm>>
        %dma_wait3A_62 = tpu.memref_slice %arg6[%add3A_58] : memref<100352xf32, #tpu.memory_space<hbm>> -> memref<64xf32, #tpu.memory_space<hbm>>
        tpu.wait_dma2 semaphore(%run_scoped3A_59 : memref<!tpu.dma_semaphore, #tpu.memory_space<semaphore_mem>>) src(%arg14 : memref<64xf32, #tpu.memory_space<vmem>>) dst(%dma_wait3A_62 : memref<64xf32, #tpu.memory_space<hbm>>)
        tpu.yield
      }) : () -> ()
    }
    %scan3A_46 = arith.constant 49 : i32
    return
  }
}

#map = affine_map<(d0, d1) -> (0, 0, 0, 0)>
#map1 = affine_map<(d0, d1) -> (0)>
module attributes {stable_mosaic.version = 14 : i64} {
  func.func @k(%arg0: i32, %arg1: i32, %arg2: memref<2x32x50x500xi32, #tpu.memory_space<hbm>>, %arg3: memref<100352xf32, #tpu.memory_space<hbm>>, %arg4: memref<50x500xi32, #tpu.memory_space<vmem>>, %arg5: memref<512xf32, #tpu.memory_space<vmem>>, %arg6: memref<448xf32, #tpu.memory_space<vmem>>, %arg7: memref<50176xf32, #tpu.memory_space<vmem_shared>>) attributes {dimension_semantics = [#tpu.dimension_semantics<core_parallel>, #tpu.dimension_semantics<subcore_parallel>], iteration_bounds = array<i64: 2, 16>, scalar_prefetch = 0 : i64, scratch_operands = 4 : i64, tpu.core_type = #tpu.core_type<sc_vector_subcore>, window_params = [{transform_indices = #map}, {transform_indices = #map1}]} {
    %mul3A = arith.constant 16 : i32
    %mul3A_0 = arith.muli %arg0, %mul3A : i32
    %add3A = arith.addi %mul3A_0, %arg1 : i32
    %broadcast_in_dim3A = arith.constant 1.000000e+00 : f32
    %broadcast_in_dim3A_1 = vector.broadcast %broadcast_in_dim3A : f32 to vector<16xf32>
    %broadcast_in_dim3A_2 = arith.constant 0.000000e+00 : f32
    %broadcast_in_dim3A_3 = vector.broadcast %broadcast_in_dim3A_2 : f32 to vector<16xf32>
    %scan3A = arith.constant 0 : i32
    %scan3A_4 = arith.constant 0 : i32
    %scan3A_5 = arith.constant 32 : i32
    %scan3A_6 = arith.addi %scan3A_4, %scan3A_5 : i32
    %scan3A_7 = arith.constant 1 : i32
    scf.for %scan3A_34 = %scan3A_4 to %scan3A_6 step %scan3A_7  : i32 {
      %mul3A_35 = arith.constant 16 : i32
      %mul3A_36 = arith.muli %scan3A_34, %mul3A_35 : i32
      %swap3A = arith.index_cast %mul3A_36 : i32 to index
      %swap3A_37 = tpu.vector_load %arg5[%swap3A] {strides = array<i32>} : memref<512xf32, #tpu.memory_space<vmem>>, vector<16xf32>,
      %swap3A_38 = vector.shape_cast %swap3A_37 : vector<16xf32> to vector<16xf32>
      %swap3A_39 = vector.shape_cast %broadcast_in_dim3A_1 : vector<16xf32> to vector<16xf32>
      tpu.vector_store %arg5[%swap3A], %swap3A_39 {strides = array<i32>} : memref<512xf32, #tpu.memory_space<vmem>>, vector<16xf32>,
    }
    %scan3A_8 = arith.constant 32 : i32
    %scan3A_9 = arith.constant 0 : i32
    %scan3A_10 = arith.constant 0 : i32
    %scan3A_11 = arith.constant 28 : i32
    %scan3A_12 = arith.addi %scan3A_10, %scan3A_11 : i32
    %scan3A_13 = arith.constant 1 : i32
    scf.for %scan3A_34 = %scan3A_10 to %scan3A_12 step %scan3A_13  : i32 {
      %mul3A_35 = arith.constant 16 : i32
      %mul3A_36 = arith.muli %scan3A_34, %mul3A_35 : i32
      %swap3A = arith.index_cast %mul3A_36 : i32 to index
      %swap3A_37 = tpu.vector_load %arg6[%swap3A] {strides = array<i32>} : memref<448xf32, #tpu.memory_space<vmem>>, vector<16xf32>,
      %swap3A_38 = vector.shape_cast %swap3A_37 : vector<16xf32> to vector<16xf32>
      %swap3A_39 = vector.shape_cast %broadcast_in_dim3A_3 : vector<16xf32> to vector<16xf32>
      tpu.vector_store %arg6[%swap3A], %swap3A_39 {strides = array<i32>} : memref<448xf32, #tpu.memory_space<vmem>>, vector<16xf32>,
    }
    %scan3A_14 = arith.constant 28 : i32
    %scan3A_15 = arith.constant 0 : i32
    %scan3A_16 = arith.constant 0 : i32
    %scan3A_17 = arith.constant 7 : i32
    %scan3A_18 = arith.addi %scan3A_16, %scan3A_17 : i32
    %scan3A_19 = arith.constant 1 : i32
    scf.for %scan3A_34 = %scan3A_16 to %scan3A_18 step %scan3A_19  : i32 {
      %mul3A_35 = arith.constant 3136 : i32
      %mul3A_36 = arith.muli %arg1, %mul3A_35 : i32
      %mul3A_37 = arith.constant 448 : i32
      %mul3A_38 = arith.muli %scan3A_34, %mul3A_37 : i32
      %add3A_39 = arith.addi %mul3A_36, %mul3A_38 : i32
      "tpu.region"() ({
        %run_scoped3A_40 = tpu.sem_alloc : memref<!tpu.dma_semaphore, #tpu.memory_space<semaphore_mem>>
        %dma_start3A = tpu.memref_slice %arg7[%add3A_39] : memref<50176xf32, #tpu.memory_space<vmem_shared>> -> memref<448xf32, #tpu.memory_space<vmem_shared>>
        %dma_start3A_41 = tpu.memref_slice %arg7[%add3A_39] : memref<50176xf32, #tpu.memory_space<vmem_shared>> -> memref<448xf32, #tpu.memory_space<vmem_shared>>
        tpu.enqueue_dma source(%arg6 : memref<448xf32, #tpu.memory_space<vmem>>) target(%dma_start3A_41 : memref<448xf32, #tpu.memory_space<vmem_shared>>) target_semaphore(%run_scoped3A_40 : memref<!tpu.dma_semaphore, #tpu.memory_space<semaphore_mem>>)
        %dma_wait3A = tpu.memref_slice %arg7[%add3A_39] : memref<50176xf32, #tpu.memory_space<vmem_shared>> -> memref<448xf32, #tpu.memory_space<vmem_shared>>
        %dma_wait3A_42 = tpu.memref_slice %arg7[%add3A_39] : memref<50176xf32, #tpu.memory_space<vmem_shared>> -> memref<448xf32, #tpu.memory_space<vmem_shared>>
        tpu.wait_dma2 semaphore(%run_scoped3A_40 : memref<!tpu.dma_semaphore, #tpu.memory_space<semaphore_mem>>) src(%arg6 : memref<448xf32, #tpu.memory_space<vmem>>) dst(%dma_wait3A_42 : memref<448xf32, #tpu.memory_space<vmem_shared>>)
        tpu.yield
      }) : () -> ()
    }
    %scan3A_20 = arith.constant 7 : i32
    %run_scoped3A = arith.constant 1 : i32
    "tpu.region"() ({
      %run_scoped3A_34 = tpu.sem_alloc : memref<!tpu.dma_semaphore, #tpu.memory_space<semaphore_mem>>
      %dma_start3A = arith.constant 0 : i32
      %dma_start3A_35 = arith.constant 0 : i32
      %dma_start3A_36 = tpu.memref_slice %arg2[%run_scoped3A, %add3A, %dma_start3A, %dma_start3A_35] : memref<2x32x50x500xi32, #tpu.memory_space<hbm>> -> memref<1x1x50x500xi32, #tpu.memory_space<hbm>>
      %dma_start3A_37 = tpu.memref_squeeze %dma_start3A_36 : memref<1x1x50x500xi32, #tpu.memory_space<hbm>> -> memref<50x500xi32, #tpu.memory_space<hbm>>
      %dma_start3A_38 = arith.constant 0 : i32
      %dma_start3A_39 = arith.constant 0 : i32
      %dma_start3A_40 = tpu.memref_slice %arg2[%run_scoped3A, %add3A, %dma_start3A_38, %dma_start3A_39] : memref<2x32x50x500xi32, #tpu.memory_space<hbm>> -> memref<1x1x50x500xi32, #tpu.memory_space<hbm>>
      %dma_start3A_41 = tpu.memref_squeeze %dma_start3A_40 : memref<1x1x50x500xi32, #tpu.memory_space<hbm>> -> memref<50x500xi32, #tpu.memory_space<hbm>>
      tpu.enqueue_dma source(%dma_start3A_41 : memref<50x500xi32, #tpu.memory_space<hbm>>) target(%arg4 : memref<50x500xi32, #tpu.memory_space<vmem>>) target_semaphore(%run_scoped3A_34 : memref<!tpu.dma_semaphore, #tpu.memory_space<semaphore_mem>>)
      %dma_wait3A = arith.constant 0 : i32
      %dma_wait3A_42 = arith.constant 0 : i32
      %dma_wait3A_43 = tpu.memref_slice %arg2[%run_scoped3A, %add3A, %dma_wait3A, %dma_wait3A_42] : memref<2x32x50x500xi32, #tpu.memory_space<hbm>> -> memref<1x1x50x500xi32, #tpu.memory_space<hbm>>
      %dma_wait3A_44 = tpu.memref_squeeze %dma_wait3A_43 : memref<1x1x50x500xi32, #tpu.memory_space<hbm>> -> memref<50x500xi32, #tpu.memory_space<hbm>>
      %dma_wait3A_45 = arith.constant 0 : i32
      %dma_wait3A_46 = arith.constant 0 : i32
      %dma_wait3A_47 = tpu.memref_slice %arg2[%run_scoped3A, %add3A, %dma_wait3A_45, %dma_wait3A_46] : memref<2x32x50x500xi32, #tpu.memory_space<hbm>> -> memref<1x1x50x500xi32, #tpu.memory_space<hbm>>
      %dma_wait3A_48 = tpu.memref_squeeze %dma_wait3A_47 : memref<1x1x50x500xi32, #tpu.memory_space<hbm>> -> memref<50x500xi32, #tpu.memory_space<hbm>>
      tpu.wait_dma2 semaphore(%run_scoped3A_34 : memref<!tpu.dma_semaphore, #tpu.memory_space<semaphore_mem>>) src(%dma_wait3A_48 : memref<50x500xi32, #tpu.memory_space<hbm>>) dst(%arg4 : memref<50x500xi32, #tpu.memory_space<vmem>>)
      tpu.yield
    }) : () -> ()
    %barrier3A = arith.constant 0 : index
    tpu.barrier barrier_id(%barrier3A)
    %scan3A_21 = arith.constant 0 : i32
    %scan3A_22 = arith.constant 0 : i32
    %scan3A_23 = arith.constant 50 : i32
    %scan3A_24 = arith.addi %scan3A_22, %scan3A_23 : i32
    %scan3A_25 = arith.constant 1 : i32
    scf.for %scan3A_34 = %scan3A_22 to %scan3A_24 step %scan3A_25  : i32 {
      "tpu.region"() ({
        %run_scoped3A_35 = tpu.sem_alloc : memref<!tpu.dma_semaphore, #tpu.memory_space<semaphore_mem>>
        %dma_start3A = arith.constant 0 : i32
        %dma_start3A_36 = tpu.memref_slice %arg5[%dma_start3A] : memref<512xf32, #tpu.memory_space<vmem>> -> memref<500xf32, #tpu.memory_space<vmem>>
        %dma_start3A_37 = arith.constant 0 : i32
        %dma_start3A_38 = tpu.memref_slice %arg4[%scan3A_34, %dma_start3A_37] : memref<50x500xi32, #tpu.memory_space<vmem>> -> memref<1x500xi32, #tpu.memory_space<vmem>>
        %dma_start3A_39 = tpu.memref_squeeze %dma_start3A_38 : memref<1x500xi32, #tpu.memory_space<vmem>> -> memref<500xi32, #tpu.memory_space<vmem>>
        %dma_start3A_40 = arith.constant 0 : i32
        %dma_start3A_41 = tpu.memref_slice %arg7[%dma_start3A_40] : memref<50176xf32, #tpu.memory_space<vmem_shared>> -> memref<50176xf32, #tpu.memory_space<vmem_shared>>
        tpu.enqueue_indirect_dma source(%dma_start3A_36 : memref<500xf32, #tpu.memory_space<vmem>>) target(%dma_start3A_41 : memref<50176xf32, #tpu.memory_space<vmem_shared>>) offsets(%dma_start3A_39 : memref<500xi32, #tpu.memory_space<vmem>>) semaphore(%run_scoped3A_35 : memref<!tpu.dma_semaphore, #tpu.memory_space<semaphore_mem>>) {add = true}
        %dma_wait3A = arith.constant 0 : i32
        %dma_wait3A_42 = tpu.memref_slice %arg5[%dma_wait3A] : memref<512xf32, #tpu.memory_space<vmem>> -> memref<500xf32, #tpu.memory_space<vmem>>
        %dma_wait3A_43 = arith.constant 0 : i32
        %dma_wait3A_44 = tpu.memref_slice %arg4[%scan3A_34, %dma_wait3A_43] : memref<50x500xi32, #tpu.memory_space<vmem>> -> memref<1x500xi32, #tpu.memory_space<vmem>>
        %dma_wait3A_45 = tpu.memref_squeeze %dma_wait3A_44 : memref<1x500xi32, #tpu.memory_space<vmem>> -> memref<500xi32, #tpu.memory_space<vmem>>
        %dma_wait3A_46 = arith.constant 0 : i32
        %dma_wait3A_47 = tpu.memref_slice %arg7[%dma_wait3A_46] : memref<50176xf32, #tpu.memory_space<vmem_shared>> -> memref<50176xf32, #tpu.memory_space<vmem_shared>>
        tpu.wait_indirect_dma semaphore(%run_scoped3A_35 : memref<!tpu.dma_semaphore, #tpu.memory_space<semaphore_mem>>) src(%dma_wait3A_42 : memref<500xf32, #tpu.memory_space<vmem>>) dst(%dma_wait3A_47 : memref<50176xf32, #tpu.memory_space<vmem_shared>>)
        tpu.yield
      }) : () -> ()
    }
    %scan3A_26 = arith.constant 50 : i32
    %barrier3A_27 = arith.constant 0 : index
    tpu.barrier barrier_id(%barrier3A_27)
    %scan3A_28 = arith.constant 0 : i32
    %scan3A_29 = arith.constant 0 : i32
    %scan3A_30 = arith.constant 7 : i32
    %scan3A_31 = arith.addi %scan3A_29, %scan3A_30 : i32
    %scan3A_32 = arith.constant 1 : i32
    scf.for %scan3A_34 = %scan3A_29 to %scan3A_31 step %scan3A_32  : i32 {
      %mul3A_35 = arith.constant 3136 : i32
      %mul3A_36 = arith.muli %arg1, %mul3A_35 : i32
      %mul3A_37 = arith.constant 448 : i32
      %mul3A_38 = arith.muli %scan3A_34, %mul3A_37 : i32
      %add3A_39 = arith.addi %mul3A_36, %mul3A_38 : i32
      "tpu.region"() ({
        %run_scoped3A_43 = tpu.sem_alloc : memref<!tpu.dma_semaphore, #tpu.memory_space<semaphore_mem>>
        %dma_start3A = tpu.memref_slice %arg7[%add3A_39] : memref<50176xf32, #tpu.memory_space<vmem_shared>> -> memref<448xf32, #tpu.memory_space<vmem_shared>>
        %dma_start3A_44 = tpu.memref_slice %arg7[%add3A_39] : memref<50176xf32, #tpu.memory_space<vmem_shared>> -> memref<448xf32, #tpu.memory_space<vmem_shared>>
        tpu.enqueue_dma source(%dma_start3A_44 : memref<448xf32, #tpu.memory_space<vmem_shared>>) target(%arg6 : memref<448xf32, #tpu.memory_space<vmem>>) target_semaphore(%run_scoped3A_43 : memref<!tpu.dma_semaphore, #tpu.memory_space<semaphore_mem>>)
        %dma_wait3A = tpu.memref_slice %arg7[%add3A_39] : memref<50176xf32, #tpu.memory_space<vmem_shared>> -> memref<448xf32, #tpu.memory_space<vmem_shared>>
        %dma_wait3A_45 = tpu.memref_slice %arg7[%add3A_39] : memref<50176xf32, #tpu.memory_space<vmem_shared>> -> memref<448xf32, #tpu.memory_space<vmem_shared>>
        tpu.wait_dma2 semaphore(%run_scoped3A_43 : memref<!tpu.dma_semaphore, #tpu.memory_space<semaphore_mem>>) src(%dma_wait3A_45 : memref<448xf32, #tpu.memory_space<vmem_shared>>) dst(%arg6 : memref<448xf32, #tpu.memory_space<vmem>>)
        tpu.yield
      }) : () -> ()
      %mul3A_40 = arith.constant 50176 : i32
      %mul3A_41 = arith.muli %arg0, %mul3A_40 : i32
      %add3A_42 = arith.addi %mul3A_41, %add3A_39 : i32
      "tpu.region"() ({
        %run_scoped3A_43 = tpu.sem_alloc : memref<!tpu.dma_semaphore, #tpu.memory_space<semaphore_mem>>
        %dma_start3A = tpu.memref_slice %arg3[%add3A_42] : memref<100352xf32, #tpu.memory_space<hbm>> -> memref<448xf32, #tpu.memory_space<hbm>>
        %dma_start3A_44 = tpu.memref_slice %arg3[%add3A_42] : memref<100352xf32, #tpu.memory_space<hbm>> -> memref<448xf32, #tpu.memory_space<hbm>>
        tpu.enqueue_dma source(%arg6 : memref<448xf32, #tpu.memory_space<vmem>>) target(%dma_start3A_44 : memref<448xf32, #tpu.memory_space<hbm>>) target_semaphore(%run_scoped3A_43 : memref<!tpu.dma_semaphore, #tpu.memory_space<semaphore_mem>>)
        %dma_wait3A = tpu.memref_slice %arg3[%add3A_42] : memref<100352xf32, #tpu.memory_space<hbm>> -> memref<448xf32, #tpu.memory_space<hbm>>
        %dma_wait3A_45 = tpu.memref_slice %arg3[%add3A_42] : memref<100352xf32, #tpu.memory_space<hbm>> -> memref<448xf32, #tpu.memory_space<hbm>>
        tpu.wait_dma2 semaphore(%run_scoped3A_43 : memref<!tpu.dma_semaphore, #tpu.memory_space<semaphore_mem>>) src(%arg6 : memref<448xf32, #tpu.memory_space<vmem>>) dst(%dma_wait3A_45 : memref<448xf32, #tpu.memory_space<hbm>>)
        tpu.yield
      }) : () -> ()
    }
    %scan3A_33 = arith.constant 7 : i32
    return
  }
}

module attributes {stable_mosaic.version = 14 : i64} {
  func.func @body(%arg0: i32, %arg1: memref<3584x2xf32, #tpu.memory_space<vmem>>, %arg2: memref<3584x32xf32, #tpu.memory_space<vmem>>, %arg3: memref<3584x1xf32, #tpu.memory_space<vmem>>, %arg4: memref<3584x32xbf16, #tpu.memory_space<vmem>>) attributes {dimension_semantics = [#tpu.dimension_semantics<arbitrary>], iteration_bounds = array<i64: 14>, scalar_prefetch = 0 : i64, scratch_operands = 0 : i64, tpu.core_type = #tpu.core_type<tc>, window_params = [{transform_indices = @transform_0, window_bounds = array<i64: 3584, 2>}, {transform_indices = @transform_1, window_bounds = array<i64: 3584, 32>}, {transform_indices = @transform_2, window_bounds = array<i64: 3584, 1>}, {transform_indices = @transform_3, window_bounds = array<i64: 3584, 32>}]} {
    %get3A = arith.constant 0 : index
    %get3A_0 = arith.constant 0 : index
    %get3A_1 = vector.load %arg1[%get3A, %get3A_0] : memref<3584x2xf32, #tpu.memory_space<vmem>>, vector<3584x2xf32>
    %slice3A = vector.extract_strided_slice %get3A_1 {offsets = [0, 0], sizes = [3584, 1], strides = [1, 1]} : vector<3584x2xf32> to vector<3584x1xf32>
    %slice3A_2 = vector.extract_strided_slice %get3A_1 {offsets = [0, 1], sizes = [3584, 1], strides = [1, 1]} : vector<3584x2xf32> to vector<3584x1xf32>
    %add3A = arith.addf %slice3A, %slice3A_2 : vector<3584x1xf32>
    %add3A_3 = arith.constant 1.000000e+00 : f32
    %add3A_4 = vector.broadcast %add3A_3 : f32 to vector<3584x1xf32>
    %add3A_5 = arith.addf %add3A, %add3A_4 : vector<3584x1xf32>
    %rsqrt3A = math.rsqrt %add3A_5 : vector<3584x1xf32>
    %swap3A = arith.constant 0 : index
    %swap3A_6 = arith.constant 0 : index
    %swap3A_7 = vector.load %arg3[%swap3A, %swap3A_6] : memref<3584x1xf32, #tpu.memory_space<vmem>>, vector<3584x1xf32>
    tpu.vector_store %arg3[%swap3A, %swap3A_6], %rsqrt3A {strides = array<i32>} : memref<3584x1xf32, #tpu.memory_space<vmem>>, vector<3584x1xf32>,
    %get3A_8 = arith.constant 0 : index
    %get3A_9 = arith.constant 0 : index
    %get3A_10 = vector.load %arg2[%get3A_8, %get3A_9] : memref<3584x32xf32, #tpu.memory_space<vmem>>, vector<3584x32xf32>
    %mul3A = vector.broadcast %rsqrt3A : vector<3584x1xf32> to vector<3584x32xf32>
    %mul3A_11 = arith.mulf %get3A_10, %mul3A : vector<3584x32xf32>
    %convert_element_type3A = arith.truncf %mul3A_11 : vector<3584x32xf32> to vector<3584x32xbf16>
    %swap3A_12 = arith.constant 0 : index
    %swap3A_13 = arith.constant 0 : index
    %swap3A_14 = vector.load %arg4[%swap3A_12, %swap3A_13] : memref<3584x32xbf16, #tpu.memory_space<vmem>>, vector<3584x32xbf16>
    tpu.vector_store %arg4[%swap3A_12, %swap3A_13], %convert_element_type3A {strides = array<i32>} : memref<3584x32xbf16, #tpu.memory_space<vmem>>, vector<3584x32xbf16>,
    return
  }
  func.func @transform_0(%arg0: i32) -> (i32, i32) {
    %c0_i32 = arith.constant 0 : i32
    %c0_i32_0 = arith.constant 0 : i32
    return %arg0, %c0_i32 : i32, i32
  }
  func.func @transform_1(%arg0: i32) -> (i32, i32) {
    %c0_i32 = arith.constant 0 : i32
    %c0_i32_0 = arith.constant 0 : i32
    return %arg0, %c0_i32 : i32, i32
  }
  func.func @transform_2(%arg0: i32) -> (i32, i32) {
    %c0_i32 = arith.constant 0 : i32
    %c0_i32_0 = arith.constant 0 : i32
    return %arg0, %c0_i32 : i32, i32
  }
  func.func @transform_3(%arg0: i32) -> (i32, i32) {
    %c0_i32 = arith.constant 0 : i32
    %c0_i32_0 = arith.constant 0 : i32
    return %arg0, %c0_i32 : i32, i32
  }
}

module attributes {stable_mosaic.version = 14 : i64} {
  func.func @body(%arg0: i32, %arg1: memref<3584x32xbf16, #tpu.memory_space<vmem>>, %arg2: memref<3584x32xbf16, #tpu.memory_space<vmem>>, %arg3: memref<28x3584xf32, #tpu.memory_space<vmem>>, %arg4: memref<3584x1xf32, #tpu.memory_space<vmem>>, %arg5: memref<3584x32xf32, #tpu.memory_space<vmem>>, %arg6: memref<64x32xf32, #tpu.memory_space<vmem>>, %arg7: memref<1x64xf32, #tpu.memory_space<vmem>>, %arg8: memref<64x64xf32, #tpu.memory_space<vmem>>, %arg9: memref<1x64xf32, #tpu.memory_space<vmem>>, %arg10: memref<4x32xf32, #tpu.memory_space<vmem>>, %arg11: memref<1xi32, #tpu.memory_space<smem>>, %arg12: memref<1x8xf32, #tpu.memory_space<vmem>>, %arg13: memref<64x8xf32, #tpu.memory_space<vmem>>, %arg14: memref<1x64xf32, #tpu.memory_space<vmem>>, %arg15: memref<64x64xf32, #tpu.memory_space<vmem>>, %arg16: memref<1x64xf32, #tpu.memory_space<vmem>>, %arg17: memref<1x64xf32, #tpu.memory_space<vmem>>, %arg18: memref<1x64xf32, #tpu.memory_space<vmem>>, %arg19: memref<64x64xf32, #tpu.memory_space<vmem>>, %arg20: memref<64x32xf32, #tpu.memory_space<vmem>>, %arg21: memref<64x64xf32, #tpu.memory_space<vmem>>, %arg22: memref<1x64xf32, #tpu.memory_space<vmem>>, %arg23: memref<3584x64xf32, #tpu.memory_space<vmem>>, %arg24: memref<1x3584xf32, #tpu.memory_space<vmem>>, %arg25: memref<1x3584xf32, #tpu.memory_space<vmem>>, %arg26: memref<1x64xf32, #tpu.memory_space<vmem>>) attributes {dimension_semantics = [#tpu.dimension_semantics<arbitrary>], iteration_bounds = array<i64: 28>, scalar_prefetch = 0 : i64, scratch_operands = 1 : i64, tpu.core_type = #tpu.core_type<tc>, window_params = [{transform_indices = @transform_0, window_bounds = array<i64: 3584, 32>}, {transform_indices = @transform_1, window_bounds = array<i64: 3584, 32>}, {pipeline_mode = #tpu.pipeline_mode<synchronous>, transform_indices = @transform_2, window_bounds = array<i64: 28, 3584>}, {transform_indices = @transform_3, window_bounds = array<i64: 3584, 1>}, {transform_indices = @transform_4, window_bounds = array<i64: 3584, 32>}, {pipeline_mode = #tpu.pipeline_mode<synchronous>, transform_indices = @transform_5, window_bounds = array<i64: 64, 32>}, {pipeline_mode = #tpu.pipeline_mode<synchronous>, transform_indices = @transform_6, window_bounds = array<i64: 1, 64>}, {pipeline_mode = #tpu.pipeline_mode<synchronous>, transform_indices = @transform_7, window_bounds = array<i64: 64, 64>}, {pipeline_mode = #tpu.pipeline_mode<synchronous>, transform_indices = @transform_8, window_bounds = array<i64: 1, 64>}, {pipeline_mode = #tpu.pipeline_mode<synchronous>, transform_indices = @transform_9, window_bounds = array<i64: 4, 32>}, {transform_indices = @transform_10, window_bounds = array<i64: 1>}, {pipeline_mode = #tpu.pipeline_mode<synchronous>, transform_indices = @transform_11, window_bounds = array<i64: 1, 8>}, {pipeline_mode = #tpu.pipeline_mode<synchronous>, transform_indices = @transform_12, window_bounds = array<i64: 64, 8>}, {pipeline_mode = #tpu.pipeline_mode<synchronous>, transform_indices = @transform_13, window_bounds = array<i64: 1, 64>}, {pipeline_mode = #tpu.pipeline_mode<synchronous>, transform_indices = @transform_14, window_bounds = array<i64: 64, 64>}, {pipeline_mode = #tpu.pipeline_mode<synchronous>, transform_indices = @transform_15, window_bounds = array<i64: 1, 64>}, {pipeline_mode = #tpu.pipeline_mode<synchronous>, transform_indices = @transform_16, window_bounds = array<i64: 1, 64>}, {pipeline_mode = #tpu.pipeline_mode<synchronous>, transform_indices = @transform_17, window_bounds = array<i64: 1, 64>}, {pipeline_mode = #tpu.pipeline_mode<synchronous>, transform_indices = @transform_18, window_bounds = array<i64: 64, 64>}, {pipeline_mode = #tpu.pipeline_mode<synchronous>, transform_indices = @transform_19, window_bounds = array<i64: 64, 32>}, {pipeline_mode = #tpu.pipeline_mode<synchronous>, transform_indices = @transform_20, window_bounds = array<i64: 64, 64>}, {pipeline_mode = #tpu.pipeline_mode<synchronous>, transform_indices = @transform_21, window_bounds = array<i64: 1, 64>}, {transform_indices = @transform_22, window_bounds = array<i64: 3584, 64>}, {transform_indices = @transform_23, window_bounds = array<i64: 1, 3584>}, {transform_indices = @transform_24, window_bounds = array<i64: 1, 3584>}]} {
    %lt3A = arith.constant 14 : i32
    %lt3A_0 = arith.cmpi slt, %arg0, %lt3A : i32
    %convert_element_type3A = arith.extui %lt3A_0 : i1 to i32
    %cond3A = arith.constant 0 : i32
    %cond3A_1 = arith.cmpi ne, %convert_element_type3A, %cond3A : i32
    scf.if %cond3A_1 {
      %get3A = arith.constant 0 : index
      %get3A_6 = arith.constant 0 : index
      %get3A_7 = vector.load %arg4[%get3A, %get3A_6] : memref<3584x1xf32, #tpu.memory_space<vmem>>, vector<3584x1xf32>
      %get3A_8 = arith.constant 0 : index
      %get3A_9 = arith.constant 0 : index
      %get3A_10 = vector.load %arg1[%get3A_8, %get3A_9] : memref<3584x32xbf16, #tpu.memory_space<vmem>>, vector<3584x32xbf16>
      %get3A_11 = arith.constant 0 : index
      %get3A_12 = arith.constant 0 : index
      %get3A_13 = vector.load %arg2[%get3A_11, %get3A_12] : memref<3584x32xbf16, #tpu.memory_space<vmem>>, vector<3584x32xbf16>
      %add3A = arith.addf %get3A_10, %get3A_13 : vector<3584x32xbf16>
      %convert_element_type3A_14 = arith.extf %add3A : vector<3584x32xbf16> to vector<3584x32xf32>
      %mul3A = vector.broadcast %get3A_7 : vector<3584x1xf32> to vector<3584x32xf32>
      %mul3A_15 = arith.mulf %convert_element_type3A_14, %mul3A : vector<3584x32xf32>
      %get3A_16 = arith.constant 0 : index
      %get3A_17 = arith.constant 0 : index
      %get3A_18 = vector.load %arg5[%get3A_16, %get3A_17] : memref<3584x32xf32, #tpu.memory_space<vmem>>, vector<3584x32xf32>
      %mul3A_19 = arith.mulf %get3A_7, %get3A_7 : vector<3584x1xf32>
      %mul3A_20 = vector.broadcast %mul3A_19 : vector<3584x1xf32> to vector<3584x32xf32>
      %mul3A_21 = arith.mulf %get3A_18, %mul3A_20 : vector<3584x32xf32>
      %add3A_22 = arith.addf %mul3A_15, %mul3A_21 : vector<3584x32xf32>
      %mul3A_23 = arith.constant 3584 : i32
      %mul3A_24 = arith.muli %arg0, %mul3A_23 : i32
      %iota3A = tpu.iota {dimensions = array<i32: 0>} : vector<3584x1xi32>
      %add3A_25 = vector.broadcast %mul3A_24 : i32 to vector<3584x1xi32>
      %add3A_26 = arith.addi %add3A_25, %iota3A : vector<3584x1xi32>
      %lt3A_27 = arith.constant 50000 : i32
      %lt3A_28 = vector.broadcast %lt3A_27 : i32 to vector<3584x1xi32>
      %lt3A_29 = arith.cmpi slt, %add3A_26, %lt3A_28 : vector<3584x1xi32>
      %jit3A = arith.constant 0.000000e+00 : f32
      %broadcast_in_dim3A = vector.shape_cast %lt3A_29 : vector<3584x1xi1> to vector<3584x1xi1>
      %broadcast_in_dim3A_30 = vector.broadcast %broadcast_in_dim3A : vector<3584x1xi1> to vector<3584x32xi1>
      %broadcast_in_dim3A_31 = vector.broadcast %jit3A : f32 to vector<3584x32xf32>
      %select_n3A = arith.select %broadcast_in_dim3A_30, %add3A_22, %broadcast_in_dim3A_31 : vector<3584x32xi1>, vector<3584x32xf32>
      %get3A_32 = arith.constant 0 : index
      %get3A_33 = arith.constant 0 : index
      %get3A_34 = vector.load %arg6[%get3A_32, %get3A_33] : memref<64x32xf32, #tpu.memory_space<vmem>>, vector<64x32xf32>
      %dot_general3A = arith.constant dense<0.000000e+00> : vector<3584x64xf32>
      %dot_general3A_35 = tpu.matmul %select_n3A, %get3A_34, %dot_general3A {dimension_numbers = #tpu.dot_dimension_numbers<[1], [1], [0], [0], [0, 0, 1, 0], [], []>, transpose_lhs_hint = false} : vector<3584x32xf32>, vector<64x32xf32>, vector<3584x64xf32> -> vector<3584x64xf32>
      %get3A_36 = arith.constant 0 : index
      %get3A_37 = arith.constant 0 : index
      %get3A_38 = vector.load %arg7[%get3A_36, %get3A_37] : memref<1x64xf32, #tpu.memory_space<vmem>>, vector<1x64xf32>
      %add3A_39 = vector.broadcast %get3A_38 : vector<1x64xf32> to vector<3584x64xf32>
      %add3A_40 = arith.addf %dot_general3A_35, %add3A_39 : vector<3584x64xf32>
      %max3A = arith.constant 0.000000e+00 : f32
      %max3A_41 = vector.broadcast %max3A : f32 to vector<3584x64xf32>
      %max3A_42 = arith.maximumf %add3A_40, %max3A_41 : vector<3584x64xf32>
      %mul3A_43 = arith.mulf %get3A_7, %get3A_7 : vector<3584x1xf32>
      %jit3A_44 = arith.constant 0.000000e+00 : f32
      %broadcast_in_dim3A_45 = vector.broadcast %jit3A_44 : f32 to vector<3584x1xf32>
      %select_n3A_46 = arith.select %lt3A_29, %mul3A_43, %broadcast_in_dim3A_45 : vector<3584x1xi1>, vector<3584x1xf32>
      %mul3A_47 = arith.constant 3584 : i32
      %mul3A_48 = arith.muli %arg0, %mul3A_47 : i32
      %iota3A_49 = tpu.iota {dimensions = array<i32: 1>} : vector<1x3584xi32>
      %add3A_50 = vector.broadcast %mul3A_48 : i32 to vector<1x3584xi32>
      %add3A_51 = arith.addi %add3A_50, %iota3A_49 : vector<1x3584xi32>
      %get3A_52 = arith.index_cast %arg0 : i32 to index
      %get3A_53 = arith.constant 0 : index
      %get3A_54 = vector.load %arg3[%get3A_52, %get3A_53] : memref<28x3584xf32, #tpu.memory_space<vmem>>, vector<1x3584xf32>
      %add3A_55 = arith.constant 14 : i32
      %add3A_56 = arith.addi %arg0, %add3A_55 : i32
      %get3A_57 = arith.index_cast %add3A_56 : i32 to index
      %get3A_58 = arith.constant 0 : index
      %get3A_59 = vector.load %arg3[%get3A_57, %get3A_58] : memref<28x3584xf32, #tpu.memory_space<vmem>>, vector<1x3584xf32>
      %lt3A_60 = arith.constant 50000 : i32
      %lt3A_61 = vector.broadcast %lt3A_60 : i32 to vector<1x3584xi32>
      %lt3A_62 = arith.cmpi slt, %add3A_51, %lt3A_61 : vector<1x3584xi32>
      %add3A_63 = arith.addf %get3A_54, %get3A_59 : vector<1x3584xf32>
      %jit3A_64 = arith.constant 0.000000e+00 : f32
      %broadcast_in_dim3A_65 = vector.broadcast %jit3A_64 : f32 to vector<1x3584xf32>
      %select_n3A_66 = arith.select %lt3A_62, %add3A_63, %broadcast_in_dim3A_65 : vector<1x3584xi1>, vector<1x3584xf32>
      %mul3A_67 = vector.broadcast %get3A_7 : vector<3584x1xf32> to vector<3584x64xf32>
      %mul3A_68 = arith.mulf %mul3A_67, %max3A_42 : vector<3584x64xf32>
      %dot_general3A_69 = arith.constant dense<0.000000e+00> : vector<1x64xf32>
      %dot_general3A_70 = tpu.matmul %select_n3A_46, %max3A_42, %dot_general3A_69 {dimension_numbers = #tpu.dot_dimension_numbers<[0], [0], [1], [1], [0, 1, 1, 1], [], []>, transpose_lhs_hint = false} : vector<3584x1xf32>, vector<3584x64xf32>, vector<1x64xf32> -> vector<1x64xf32>
      %dot_general3A_71 = arith.constant dense<0.000000e+00> : vector<1x64xf32>
      %dot_general3A_72 = tpu.matmul %select_n3A_66, %mul3A_68, %dot_general3A_71 {dimension_numbers = #tpu.dot_dimension_numbers<[1], [0], [0], [1], [0, 0, 1, 1], [], []>, transpose_lhs_hint = false} : vector<1x3584xf32>, vector<3584x64xf32>, vector<1x64xf32> -> vector<1x64xf32>
      %add3A_73 = arith.addf %dot_general3A_70, %dot_general3A_72 : vector<1x64xf32>
      %eq3A = arith.constant 0 : i32
      %eq3A_74 = arith.cmpi eq, %arg0, %eq3A : i32
      %convert_element_type3A_75 = arith.extui %eq3A_74 : i1 to i32
      %cond3A_76 = arith.constant 0 : i32
      %cond3A_77 = arith.cmpi ne, %convert_element_type3A_75, %cond3A_76 : i32
      scf.if %cond3A_77 {
        %broadcast_in_dim3A_84 = arith.constant 0.000000e+00 : f32
        %broadcast_in_dim3A_85 = vector.broadcast %broadcast_in_dim3A_84 : f32 to vector<1x64xf32>
        %swap3A_86 = arith.constant 0 : index
        %swap3A_87 = arith.constant 0 : index
        %swap3A_88 = vector.load %arg26[%swap3A_86, %swap3A_87] : memref<1x64xf32, #tpu.memory_space<vmem>>, vector<1x64xf32>
        tpu.vector_store %arg26[%swap3A_86, %swap3A_87], %broadcast_in_dim3A_85 {strides = array<i32>} : memref<1x64xf32, #tpu.memory_space<vmem>>, vector<1x64xf32>,
      } else {
      }
      %get3A_78 = arith.constant 0 : index
      %get3A_79 = arith.constant 0 : index
      %get3A_80 = vector.load %arg26[%get3A_78, %get3A_79] : memref<1x64xf32, #tpu.memory_space<vmem>>, vector<1x64xf32>
      %add3A_81 = arith.addf %get3A_80, %add3A_73 : vector<1x64xf32>
      %swap3A = arith.constant 0 : index
      %swap3A_82 = arith.constant 0 : index
      %swap3A_83 = vector.load %arg26[%swap3A, %swap3A_82] : memref<1x64xf32, #tpu.memory_space<vmem>>, vector<1x64xf32>
      tpu.vector_store %arg26[%swap3A, %swap3A_82], %add3A_81 {strides = array<i32>} : memref<1x64xf32, #tpu.memory_space<vmem>>, vector<1x64xf32>,
    } else {
    }
    %ge3A = arith.constant 14 : i32
    %ge3A_2 = arith.cmpi sge, %arg0, %ge3A : i32
    %convert_element_type3A_3 = arith.extui %ge3A_2 : i1 to i32
    %cond3A_4 = arith.constant 0 : i32
    %cond3A_5 = arith.cmpi ne, %convert_element_type3A_3, %cond3A_4 : i32
    scf.if %cond3A_5 {
      %get3A = arith.constant 0 : index
      %get3A_6 = arith.constant 0 : index
      %get3A_7 = vector.load %arg26[%get3A, %get3A_6] : memref<1x64xf32, #tpu.memory_space<vmem>>, vector<1x64xf32>
      %mul3A = arith.constant 2.000000e-05 : f32
      %mul3A_8 = vector.broadcast %mul3A : f32 to vector<1x64xf32>
      %mul3A_9 = arith.mulf %get3A_7, %mul3A_8 : vector<1x64xf32>
      %get3A_10 = arith.constant 0 : index
      %get3A_11 = arith.constant 0 : index
      %get3A_12 = vector.load %arg8[%get3A_10, %get3A_11] : memref<64x64xf32, #tpu.memory_space<vmem>>, vector<64x64xf32>
      %dot_general3A = arith.constant dense<0.000000e+00> : vector<1x64xf32>
      %dot_general3A_13 = tpu.matmul %mul3A_9, %get3A_12, %dot_general3A {dimension_numbers = #tpu.dot_dimension_numbers<[1], [1], [0], [0], [0, 0, 1, 0], [], []>, transpose_lhs_hint = false} : vector<1x64xf32>, vector<64x64xf32>, vector<1x64xf32> -> vector<1x64xf32>
      %get3A_14 = arith.constant 0 : index
      %get3A_15 = arith.constant 0 : index
      %get3A_16 = vector.load %arg9[%get3A_14, %get3A_15] : memref<1x64xf32, #tpu.memory_space<vmem>>, vector<1x64xf32>
      %add3A = arith.addf %dot_general3A_13, %get3A_16 : vector<1x64xf32>
      %get3A_17 = arith.constant 0 : index
      %get3A_18 = memref.load %arg11[%get3A_17] : memref<1xi32, #tpu.memory_space<smem>>
      %iota3A = tpu.iota {dimensions = array<i32: 0>} : vector<4x32xi32>
      %eq3A = vector.broadcast %get3A_18 : i32 to vector<4x32xi32>
      %eq3A_19 = arith.cmpi eq, %iota3A, %eq3A : vector<4x32xi32>
      %get3A_20 = arith.constant 0 : index
      %get3A_21 = arith.constant 0 : index
      %get3A_22 = vector.load %arg10[%get3A_20, %get3A_21] : memref<4x32xf32, #tpu.memory_space<vmem>>, vector<4x32xf32>
      %jit3A = arith.constant 0.000000e+00 : f32
      %broadcast_in_dim3A = vector.broadcast %jit3A : f32 to vector<4x32xf32>
      %select_n3A = arith.select %eq3A_19, %get3A_22, %broadcast_in_dim3A : vector<4x32xi1>, vector<4x32xf32>
      %reduce_sum3A = arith.constant dense<0.000000e+00> : vector<32xf32>
      %reduce_sum3A_23 = vector.multi_reduction <add>, %select_n3A, %reduce_sum3A [0] : vector<4x32xf32> to vector<32xf32>
      %broadcast_in_dim3A_24 = vector.shape_cast %reduce_sum3A_23 : vector<32xf32> to vector<1x32xf32>
      %get3A_25 = arith.constant 0 : index
      %get3A_26 = arith.constant 0 : index
      %get3A_27 = vector.load %arg12[%get3A_25, %get3A_26] : memref<1x8xf32, #tpu.memory_space<vmem>>, vector<1x8xf32>
      %get3A_28 = arith.constant 0 : index
      %get3A_29 = arith.constant 0 : index
      %get3A_30 = vector.load %arg13[%get3A_28, %get3A_29] : memref<64x8xf32, #tpu.memory_space<vmem>>, vector<64x8xf32>
      %dot_general3A_31 = arith.constant dense<0.000000e+00> : vector<1x64xf32>
      %dot_general3A_32 = tpu.matmul %get3A_27, %get3A_30, %dot_general3A_31 {dimension_numbers = #tpu.dot_dimension_numbers<[1], [1], [0], [0], [0, 0, 1, 0], [], []>, transpose_lhs_hint = false} : vector<1x8xf32>, vector<64x8xf32>, vector<1x64xf32> -> vector<1x64xf32>
      %get3A_33 = arith.constant 0 : index
      %get3A_34 = arith.constant 0 : index
      %get3A_35 = vector.load %arg14[%get3A_33, %get3A_34] : memref<1x64xf32, #tpu.memory_space<vmem>>, vector<1x64xf32>
      %add3A_36 = arith.addf %dot_general3A_32, %get3A_35 : vector<1x64xf32>
      %max3A = arith.constant 0.000000e+00 : f32
      %max3A_37 = vector.broadcast %max3A : f32 to vector<1x64xf32>
      %max3A_38 = arith.maximumf %add3A_36, %max3A_37 : vector<1x64xf32>
      %get3A_39 = arith.constant 0 : index
      %get3A_40 = arith.constant 0 : index
      %get3A_41 = vector.load %arg15[%get3A_39, %get3A_40] : memref<64x64xf32, #tpu.memory_space<vmem>>, vector<64x64xf32>
      %dot_general3A_42 = arith.constant dense<0.000000e+00> : vector<1x64xf32>
      %dot_general3A_43 = tpu.matmul %max3A_38, %get3A_41, %dot_general3A_42 {dimension_numbers = #tpu.dot_dimension_numbers<[1], [1], [0], [0], [0, 0, 1, 0], [], []>, transpose_lhs_hint = false} : vector<1x64xf32>, vector<64x64xf32>, vector<1x64xf32> -> vector<1x64xf32>
      %get3A_44 = arith.constant 0 : index
      %get3A_45 = arith.constant 0 : index
      %get3A_46 = vector.load %arg16[%get3A_44, %get3A_45] : memref<1x64xf32, #tpu.memory_space<vmem>>, vector<1x64xf32>
      %add3A_47 = arith.addf %dot_general3A_43, %get3A_46 : vector<1x64xf32>
      %reduce_sum3A_48 = arith.constant dense<0.000000e+00> : vector<1xf32>
      %reduce_sum3A_49 = vector.multi_reduction <add>, %add3A_47, %reduce_sum3A_48 [1] : vector<1x64xf32> to vector<1xf32>
      %broadcast_in_dim3A_50 = vector.shape_cast %reduce_sum3A_49 : vector<1xf32> to vector<1x1xf32>
      %div3A = arith.constant 6.400000e+01 : f32
      %div3A_51 = vector.broadcast %div3A : f32 to vector<1x1xf32>
      %div3A_52 = arith.divf %broadcast_in_dim3A_50, %div3A_51 : vector<1x1xf32>
      %sub3A = vector.broadcast %div3A_52 : vector<1x1xf32> to vector<1x64xf32>
      %sub3A_53 = arith.subf %add3A_47, %sub3A : vector<1x64xf32>
      %sub3A_54 = vector.broadcast %div3A_52 : vector<1x1xf32> to vector<1x64xf32>
      %sub3A_55 = arith.subf %add3A_47, %sub3A_54 : vector<1x64xf32>
      %mul3A_56 = arith.mulf %sub3A_53, %sub3A_55 : vector<1x64xf32>
      %reduce_sum3A_57 = arith.constant dense<0.000000e+00> : vector<1xf32>
      %reduce_sum3A_58 = vector.multi_reduction <add>, %mul3A_56, %reduce_sum3A_57 [1] : vector<1x64xf32> to vector<1xf32>
      %broadcast_in_dim3A_59 = vector.shape_cast %reduce_sum3A_58 : vector<1xf32> to vector<1x1xf32>
      %div3A_60 = arith.constant 6.400000e+01 : f32
      %div3A_61 = vector.broadcast %div3A_60 : f32 to vector<1x1xf32>
      %div3A_62 = arith.divf %broadcast_in_dim3A_59, %div3A_61 : vector<1x1xf32>
      %sub3A_63 = vector.broadcast %div3A_52 : vector<1x1xf32> to vector<1x64xf32>
      %sub3A_64 = arith.subf %add3A_47, %sub3A_63 : vector<1x64xf32>
      %add3A_65 = arith.constant 9.99999974E-6 : f32
      %add3A_66 = vector.broadcast %add3A_65 : f32 to vector<1x1xf32>
      %add3A_67 = arith.addf %div3A_62, %add3A_66 : vector<1x1xf32>
      %rsqrt3A = math.rsqrt %add3A_67 : vector<1x1xf32>
      %mul3A_68 = vector.broadcast %rsqrt3A : vector<1x1xf32> to vector<1x64xf32>
      %mul3A_69 = arith.mulf %sub3A_64, %mul3A_68 : vector<1x64xf32>
      %get3A_70 = arith.constant 0 : index
      %get3A_71 = arith.constant 0 : index
      %get3A_72 = vector.load %arg17[%get3A_70, %get3A_71] : memref<1x64xf32, #tpu.memory_space<vmem>>, vector<1x64xf32>
      %mul3A_73 = arith.mulf %mul3A_69, %get3A_72 : vector<1x64xf32>
      %get3A_74 = arith.constant 0 : index
      %get3A_75 = arith.constant 0 : index
      %get3A_76 = vector.load %arg18[%get3A_74, %get3A_75] : memref<1x64xf32, #tpu.memory_space<vmem>>, vector<1x64xf32>
      %add3A_77 = arith.addf %mul3A_73, %get3A_76 : vector<1x64xf32>
      %get3A_78 = arith.constant 0 : index
      %get3A_79 = arith.constant 0 : index
      %get3A_80 = vector.load %arg19[%get3A_78, %get3A_79] : memref<64x64xf32, #tpu.memory_space<vmem>>, vector<64x64xf32>
      %dot_general3A_81 = arith.constant dense<0.000000e+00> : vector<1x64xf32>
      %dot_general3A_82 = tpu.matmul %add3A, %get3A_80, %dot_general3A_81 {dimension_numbers = #tpu.dot_dimension_numbers<[1], [1], [0], [0], [0, 0, 1, 0], [], []>, transpose_lhs_hint = false} : vector<1x64xf32>, vector<64x64xf32>, vector<1x64xf32> -> vector<1x64xf32>
      %get3A_83 = arith.constant 0 : index
      %get3A_84 = arith.constant 0 : index
      %get3A_85 = vector.load %arg20[%get3A_83, %get3A_84] : memref<64x32xf32, #tpu.memory_space<vmem>>, vector<64x32xf32>
      %dot_general3A_86 = arith.constant dense<0.000000e+00> : vector<1x64xf32>
      %dot_general3A_87 = tpu.matmul %broadcast_in_dim3A_24, %get3A_85, %dot_general3A_86 {dimension_numbers = #tpu.dot_dimension_numbers<[1], [1], [0], [0], [0, 0, 1, 0], [], []>, transpose_lhs_hint = false} : vector<1x32xf32>, vector<64x32xf32>, vector<1x64xf32> -> vector<1x64xf32>
      %add3A_88 = arith.addf %dot_general3A_82, %dot_general3A_87 : vector<1x64xf32>
      %get3A_89 = arith.constant 0 : index
      %get3A_90 = arith.constant 0 : index
      %get3A_91 = vector.load %arg21[%get3A_89, %get3A_90] : memref<64x64xf32, #tpu.memory_space<vmem>>, vector<64x64xf32>
      %dot_general3A_92 = arith.constant dense<0.000000e+00> : vector<1x64xf32>
      %dot_general3A_93 = tpu.matmul %add3A_77, %get3A_91, %dot_general3A_92 {dimension_numbers = #tpu.dot_dimension_numbers<[1], [1], [0], [0], [0, 0, 1, 0], [], []>, transpose_lhs_hint = false} : vector<1x64xf32>, vector<64x64xf32>, vector<1x64xf32> -> vector<1x64xf32>
      %add3A_94 = arith.addf %add3A_88, %dot_general3A_93 : vector<1x64xf32>
      %get3A_95 = arith.constant 0 : index
      %get3A_96 = arith.constant 0 : index
      %get3A_97 = vector.load %arg22[%get3A_95, %get3A_96] : memref<1x64xf32, #tpu.memory_space<vmem>>, vector<1x64xf32>
      %add3A_98 = arith.addf %add3A_94, %get3A_97 : vector<1x64xf32>
      %max3A_99 = arith.constant 0.000000e+00 : f32
      %max3A_100 = vector.broadcast %max3A_99 : f32 to vector<1x64xf32>
      %max3A_101 = arith.maximumf %add3A_98, %max3A_100 : vector<1x64xf32>
      %get3A_102 = arith.constant 0 : index
      %get3A_103 = arith.constant 0 : index
      %get3A_104 = vector.load %arg23[%get3A_102, %get3A_103] : memref<3584x64xf32, #tpu.memory_space<vmem>>, vector<3584x64xf32>
      %dot_general3A_105 = arith.constant dense<0.000000e+00> : vector<1x3584xf32>
      %dot_general3A_106 = tpu.matmul %max3A_101, %get3A_104, %dot_general3A_105 {dimension_numbers = #tpu.dot_dimension_numbers<[1], [1], [0], [0], [0, 0, 1, 0], [], []>, transpose_lhs_hint = false} : vector<1x64xf32>, vector<3584x64xf32>, vector<1x3584xf32> -> vector<1x3584xf32>
      %get3A_107 = arith.constant 0 : index
      %get3A_108 = arith.constant 0 : index
      %get3A_109 = vector.load %arg24[%get3A_107, %get3A_108] : memref<1x3584xf32, #tpu.memory_space<vmem>>, vector<1x3584xf32>
      %add3A_110 = arith.addf %dot_general3A_106, %get3A_109 : vector<1x3584xf32>
      %logistic3A = arith.negf %add3A_110 : vector<1x3584xf32>
      %logistic3A_111 = math.exp %logistic3A : vector<1x3584xf32>
      %logistic3A_112 = arith.constant 1.000000e+00 : f32
      %logistic3A_113 = vector.broadcast %logistic3A_112 : f32 to vector<1x3584xf32>
      %logistic3A_114 = arith.addf %logistic3A_113, %logistic3A_111 : vector<1x3584xf32>
      %logistic3A_115 = arith.divf %logistic3A_113, %logistic3A_114 : vector<1x3584xf32>
      %swap3A = arith.constant 0 : index
      %swap3A_116 = arith.constant 0 : index
      %swap3A_117 = vector.load %arg25[%swap3A, %swap3A_116] : memref<1x3584xf32, #tpu.memory_space<vmem>>, vector<1x3584xf32>
      tpu.vector_store %arg25[%swap3A, %swap3A_116], %logistic3A_115 {strides = array<i32>} : memref<1x3584xf32, #tpu.memory_space<vmem>>, vector<1x3584xf32>,
    } else {
    }
    return
  }
  func.func @transform_0(%arg0: i32) -> (i32, i32) {
    %min3A = arith.constant 13 : i32
    %min3A_0 = arith.minsi %arg0, %min3A : i32
    %c0_i32 = arith.constant 0 : i32
    %c0_i32_1 = arith.constant 0 : i32
    return %min3A_0, %c0_i32 : i32, i32
  }
  func.func @transform_1(%arg0: i32) -> (i32, i32) {
    %min3A = arith.constant 13 : i32
    %min3A_0 = arith.minsi %arg0, %min3A : i32
    %add3A = arith.constant 14 : i32
    %add3A_1 = arith.addi %add3A, %min3A_0 : i32
    %c0_i32 = arith.constant 0 : i32
    %c0_i32_2 = arith.constant 0 : i32
    return %add3A_1, %c0_i32 : i32, i32
  }
  func.func @transform_2(%arg0: i32) -> (i32, i32) {
    %c0_i32 = arith.constant 0 : i32
    %c0_i32_0 = arith.constant 0 : i32
    %c0_i32_1 = arith.constant 0 : i32
    return %c0_i32, %c0_i32_0 : i32, i32
  }
  func.func @transform_3(%arg0: i32) -> (i32, i32) {
    %min3A = arith.constant 13 : i32
    %min3A_0 = arith.minsi %arg0, %min3A : i32
    %c0_i32 = arith.constant 0 : i32
    %c0_i32_1 = arith.constant 0 : i32
    return %min3A_0, %c0_i32 : i32, i32
  }
  func.func @transform_4(%arg0: i32) -> (i32, i32) {
    %min3A = arith.constant 13 : i32
    %min3A_0 = arith.minsi %arg0, %min3A : i32
    %c0_i32 = arith.constant 0 : i32
    %c0_i32_1 = arith.constant 0 : i32
    return %min3A_0, %c0_i32 : i32, i32
  }
  func.func @transform_5(%arg0: i32) -> (i32, i32) {
    %c0_i32 = arith.constant 0 : i32
    %c0_i32_0 = arith.constant 0 : i32
    %c0_i32_1 = arith.constant 0 : i32
    return %c0_i32, %c0_i32_0 : i32, i32
  }
  func.func @transform_6(%arg0: i32) -> (i32, i32) {
    %c0_i32 = arith.constant 0 : i32
    %c0_i32_0 = arith.constant 0 : i32
    %c0_i32_1 = arith.constant 0 : i32
    return %c0_i32, %c0_i32_0 : i32, i32
  }
  func.func @transform_7(%arg0: i32) -> (i32, i32) {
    %c0_i32 = arith.constant 0 : i32
    %c0_i32_0 = arith.constant 0 : i32
    %c0_i32_1 = arith.constant 0 : i32
    return %c0_i32, %c0_i32_0 : i32, i32
  }
  func.func @transform_8(%arg0: i32) -> (i32, i32) {
    %c0_i32 = arith.constant 0 : i32
    %c0_i32_0 = arith.constant 0 : i32
    %c0_i32_1 = arith.constant 0 : i32
    return %c0_i32, %c0_i32_0 : i32, i32
  }
  func.func @transform_9(%arg0: i32) -> (i32, i32) {
    %c0_i32 = arith.constant 0 : i32
    %c0_i32_0 = arith.constant 0 : i32
    %c0_i32_1 = arith.constant 0 : i32
    return %c0_i32, %c0_i32_0 : i32, i32
  }
  func.func @transform_10(%arg0: i32) -> i32 {
    %c0_i32 = arith.constant 0 : i32
    %c0_i32_0 = arith.constant 0 : i32
    return %c0_i32 : i32
  }
  func.func @transform_11(%arg0: i32) -> (i32, i32) {
    %c0_i32 = arith.constant 0 : i32
    %c0_i32_0 = arith.constant 0 : i32
    %c0_i32_1 = arith.constant 0 : i32
    return %c0_i32, %c0_i32_0 : i32, i32
  }
  func.func @transform_12(%arg0: i32) -> (i32, i32) {
    %c0_i32 = arith.constant 0 : i32
    %c0_i32_0 = arith.constant 0 : i32
    %c0_i32_1 = arith.constant 0 : i32
    return %c0_i32, %c0_i32_0 : i32, i32
  }
  func.func @transform_13(%arg0: i32) -> (i32, i32) {
    %c0_i32 = arith.constant 0 : i32
    %c0_i32_0 = arith.constant 0 : i32
    %c0_i32_1 = arith.constant 0 : i32
    return %c0_i32, %c0_i32_0 : i32, i32
  }
  func.func @transform_14(%arg0: i32) -> (i32, i32) {
    %c0_i32 = arith.constant 0 : i32
    %c0_i32_0 = arith.constant 0 : i32
    %c0_i32_1 = arith.constant 0 : i32
    return %c0_i32, %c0_i32_0 : i32, i32
  }
  func.func @transform_15(%arg0: i32) -> (i32, i32) {
    %c0_i32 = arith.constant 0 : i32
    %c0_i32_0 = arith.constant 0 : i32
    %c0_i32_1 = arith.constant 0 : i32
    return %c0_i32, %c0_i32_0 : i32, i32
  }
  func.func @transform_16(%arg0: i32) -> (i32, i32) {
    %c0_i32 = arith.constant 0 : i32
    %c0_i32_0 = arith.constant 0 : i32
    %c0_i32_1 = arith.constant 0 : i32
    return %c0_i32, %c0_i32_0 : i32, i32
  }
  func.func @transform_17(%arg0: i32) -> (i32, i32) {
    %c0_i32 = arith.constant 0 : i32
    %c0_i32_0 = arith.constant 0 : i32
    %c0_i32_1 = arith.constant 0 : i32
    return %c0_i32, %c0_i32_0 : i32, i32
  }
  func.func @transform_18(%arg0: i32) -> (i32, i32) {
    %c0_i32 = arith.constant 0 : i32
    %c0_i32_0 = arith.constant 0 : i32
    %c0_i32_1 = arith.constant 0 : i32
    return %c0_i32, %c0_i32_0 : i32, i32
  }
  func.func @transform_19(%arg0: i32) -> (i32, i32) {
    %c0_i32 = arith.constant 0 : i32
    %c0_i32_0 = arith.constant 0 : i32
    %c0_i32_1 = arith.constant 0 : i32
    return %c0_i32, %c0_i32_0 : i32, i32
  }
  func.func @transform_20(%arg0: i32) -> (i32, i32) {
    %c0_i32 = arith.constant 0 : i32
    %c0_i32_0 = arith.constant 0 : i32
    %c0_i32_1 = arith.constant 0 : i32
    return %c0_i32, %c0_i32_0 : i32, i32
  }
  func.func @transform_21(%arg0: i32) -> (i32, i32) {
    %c0_i32 = arith.constant 0 : i32
    %c0_i32_0 = arith.constant 0 : i32
    %c0_i32_1 = arith.constant 0 : i32
    return %c0_i32, %c0_i32_0 : i32, i32
  }
  func.func @transform_22(%arg0: i32) -> (i32, i32) {
    %sub3A = arith.constant 14 : i32
    %sub3A_0 = arith.subi %arg0, %sub3A : i32
    %max3A = arith.constant 0 : i32
    %max3A_1 = arith.maxsi %sub3A_0, %max3A : i32
    %c0_i32 = arith.constant 0 : i32
    %c0_i32_2 = arith.constant 0 : i32
    return %max3A_1, %c0_i32 : i32, i32
  }
  func.func @transform_23(%arg0: i32) -> (i32, i32) {
    %sub3A = arith.constant 14 : i32
    %sub3A_0 = arith.subi %arg0, %sub3A : i32
    %max3A = arith.constant 0 : i32
    %max3A_1 = arith.maxsi %sub3A_0, %max3A : i32
    %c0_i32 = arith.constant 0 : i32
    %c0_i32_2 = arith.constant 0 : i32
    return %c0_i32, %max3A_1 : i32, i32
  }
  func.func @transform_24(%arg0: i32) -> (i32, i32) {
    %sub3A = arith.constant 14 : i32
    %sub3A_0 = arith.subi %arg0, %sub3A : i32
    %max3A = arith.constant 0 : i32
    %max3A_1 = arith.maxsi %sub3A_0, %max3A : i32
    %c0_i32 = arith.constant 0 : i32
    %c0_i32_2 = arith.constant 0 : i32
    return %c0_i32, %max3A_1 : i32, i32
  }
}

</mosaic_0001>

<sc_bundles>
// kernel: kernel.6.cloned.1.call-start
scs
__scs_entry_jumppad:
0x0: {  	(pc) =	sbr.rel $0x88, $3  }
0x1: {  	(tag) =	ssettag $0x0;
	lr =	simm.s32 $0x1  }
0x2: {  	[smem:$0x3F8E] =	sst lr;
	_ =	strace $0xD0000000  }
0x3: {  	_ = 	snop  }
0x4: {  	_ = 	snop  }
0x5: {  	_ = 	snop  }
0x6: {  	_ = 	snop  }
0x7: {  	_ = 	snop  }
__scs_overlays_trampoline_lowered:
0x8: {  	[smem:$0x3F9D] =	sst s0  }
0x9: {  	[smem:$0x3F9E] =	sst s1  }
0xa: {  	[smem:$0x3F9F] =	sst s2  }
0xb: {  	[smem:$0x3FA0] =	sst s3  }
0xc: {  	[smem:$0x3FA1] =	sst s4  }
0xd: {  	[smem:$0x3FA2] =	sst s5  }
0xe: {  	[smem:$0x3FA3] =	sst s6  }
0xf: {  	[smem:$0x3FA4] =	sst s7  }
0x10: {  	[smem:$0x3FA5] =	sst s8  }
0x11: {  	[smem:$0x3FA6] =	sst s9;
	s0 =	simm.s32 @!p0 $0x0  }
0x12: {  	s1 =	sld [smem:$0x3F8C];
	s0 =	simm.s32 @p0 $0x1  }
0x13: {  	[smem:$0x3FA7] =	sst s0;
	s0 =	simm.s32 @!p1 $0x0  }
0x14: {  	s2 =	sld [smem:$0x3F8B];
	s0 =	simm.s32 @p1 $0x1  }
0x15: {  	[smem:$0x3FA8] =	sst s0;
	s0 =	simm.s32 @!p2 $0x0  }
0x16: {  	s3 =	sld [smem:$0x3FDB];
	s0 =	simm.s32 @p2 $0x1  }
0x17: {  	s4 =	simm.s32 $0x1BF5;
	[smem:$0x3FAA] =	sst s0  }
0x18: {  	s0 =	sld [smem:$0x3F8D];
	_ =	swait.ge [sflag:s4], $0x0  }
0x19: {  	s7 =	sld [smem:$0x3F8E]  }
0x1a: {  	s8 =	sadd.s32 $0xFFFFE003, lr  }
0x1b: {  	s9 =	sadd.s32 $0xFFFFFEF7, lr;
	s5 =	simm.s32 $0xFFFFFFFF;
	p2 =	slt.u32 s8, $0xFFFFF086  }
0x1c: {  	p1 =	slt.u32 s9, $0xF7A;
	s5 =	simm.s32 @!p2 $0x0  }
0x1d: {  	s5 =	simm.s32 @p1 $0x1;
	p0 =	seq.s32 s7, s2  }
0x1e: {  	s7 =	smul.u32 @!p0 $0xF7A, s2;
	p2 =	seq.s32 @!p0 s5, $0x0  }
0x1f: {  	s9 =	smul.u32 $0xF7A, s1;
	s8 =	simm.s32 @!p0 $0x1BF5;
	p2 =	por !p2, p0  }
0x20: {  	[sflag:s8] =	ssyncset.s32 @!p0 $0xFFFFF086;
	s6 =	sadd.s32 @!p0 s3, s7;
	s7 =	simm.s32 @!p0 $0x108  }
0x21: {  	s3 =	sadd.s32 s3, s9;
	s6 =	sadd.s32 @!p0 $0x88, s6;
	s7 =	simm.s32 @p2 $0x1082  }
0x22: {  	[simem:s7], [sflag:s8] =	dma.local @!p0 [hbm:s6], $0xF7A  }
0x23: {  	s9 =	sor.u32 $0xD0000000, s2;
	s6 =	simm.s32 $0x108;
	_ =	swait.ge @!p0 [sflag:s8], $0x0  }
0x24: {  	s3 =	sadd.s32 $0x88, s3;
	s6 =	simm.s32 @!p1 $0x1082;
	[sflag:s4] =	ssyncset.s32 $0xFFFFF086  }
0x25: {  	[simem:s6], [sflag:s4] =	dma.local [hbm:s3], $0xF7A  }
0x26: {  	[smem:$0x3F8E] =	sst s1;
	(tag) =	ssettag s2;
	_ =	strace s9  }
0x27: {  	s1 =	sld [smem:$0x3F9E]  }
0x28: {  	s2 =	sld [smem:$0x3F9F]  }
0x29: {  	s4 =	sld [smem:$0x3FA1]  }
0x2a: {  	p0 =	seq.s32 s5, $0x0;
	s5 =	sld [smem:$0x3FA2]  }
0x2b: {  	s6 =	sld [smem:$0x3FA3]  }
0x2c: {  	s7 =	sld [smem:$0x3FA4]  }
0x2d: {  	s3 =	simm.s32 $0x108;
	s8 =	sld [smem:$0x3FA5]  }
0x2e: {  	s3 =	simm.s32 @!p0 $0x1082;
	s9 =	sld [smem:$0x3FA6]  }
0x2f: {  	lr =	sadd.s32 s0, s3;
	s0 =	sld [smem:$0x3F9D]  }
0x30: {  	s3 =	sld [smem:$0x3FA0]  }
0x31: {  	[smem:$0x3FA9] =	sst s10  }
0x32: {  	s10 =	sld [smem:$0x3FA7];
	_ =	sdelay $0x3  }
0x33: {  	p0 =	seq.s32 s10, $0x1;
	s10 =	sld [smem:$0x3FA9];
	_ =	sdelay $0x3  }
0x34: {  	[smem:$0x3FA9] =	sst s10  }
0x35: {  	s10 =	sld [smem:$0x3FA8];
	_ =	sdelay $0x3  }
0x36: {  	p1 =	seq.s32 s10, $0x1;
	s10 =	sld [smem:$0x3FA9];
	_ =	sdelay $0x3  }
0x37: {  	[smem:$0x3FA9] =	sst s10  }
0x38: {  	s10 =	sld [smem:$0x3FAA]  }
0x39: {  	_ = 	snop;
	(pc) =	sbr.ind lr, $3  }
0x3a: {  	_ = 	snop  }
0x3b: {  	_ = 	snop  }
0x3c: {  	p2 =	seq.s32 s10, $0x1;
	s10 =	sld [smem:$0x3FA9]  }
0x3d: {  	_ =	shalt  }
0x3e: {  	_ =	shalt  }
0x3f: {  	_ =	shalt  }
0x40: {  	_ =	shalt  }
0x41: {  	_ =	shalt  }
0x42: {  	_ =	shalt  }
0x43: {  	_ =	shalt  }
0x44: {  	_ =	shalt  }
0x45: {  	_ =	shalt  }
0x46: {  	_ =	shalt  }
0x47: {  	_ =	shalt  }
0x48: {  	_ =	shalt  }
0x49: {  	_ =	shalt  }
0x4a: {  	_ =	shalt  }
0x4b: {  	_ =	shalt  }
0x4c: {  	_ =	shalt  }
0x4d: {  	_ =	shalt  }
0x4e: {  	_ =	shalt  }
0x4f: {  	_ =	shalt  }
0x50: {  	_ =	shalt  }
0x51: {  	_ =	shalt  }
0x52: {  	_ =	shalt  }
0x53: {  	_ =	shalt  }
0x54: {  	_ =	shalt  }
0x55: {  	_ =	shalt  }
0x56: {  	_ =	shalt  }
0x57: {  	_ =	shalt  }
0x58: {  	_ =	shalt  }
0x59: {  	_ =	shalt  }
0x5a: {  	_ =	shalt  }
0x5b: {  	_ =	shalt  }
0x5c: {  	_ =	shalt  }
0x5d: {  	_ =	shalt  }
0x5e: {  	_ =	shalt  }
0x5f: {  	_ =	shalt  }
0x60: {  	_ =	shalt  }
0x61: {  	_ =	shalt  }
0x62: {  	_ =	shalt  }
0x63: {  	_ =	shalt  }
0x64: {  	_ =	shalt  }
0x65: {  	_ =	shalt  }
0x66: {  	_ =	shalt  }
0x67: {  	_ =	shalt  }
0x68: {  	_ =	shalt  }
0x69: {  	_ =	shalt  }
0x6a: {  	_ =	shalt  }
0x6b: {  	_ =	shalt  }
0x6c: {  	_ =	shalt  }
0x6d: {  	_ =	shalt  }
0x6e: {  	_ =	shalt  }
0x6f: {  	_ =	shalt  }
0x70: {  	_ =	shalt  }
0x71: {  	_ =	shalt  }
0x72: {  	_ =	shalt  }
0x73: {  	_ =	shalt  }
0x74: {  	_ =	shalt  }
0x75: {  	_ =	shalt  }
0x76: {  	_ =	shalt  }
0x77: {  	_ =	shalt  }
0x78: {  	_ =	shalt  }
0x79: {  	_ =	shalt  }
0x7a: {  	_ =	shalt  }
0x7b: {  	_ =	shalt  }
0x7c: {  	_ =	shalt  }
0x7d: {  	_ =	shalt  }
0x7e: {  	_ =	shalt  }
0x7f: {  	_ =	shalt  }
0x80: {  	_ =	shalt  }
0x81: {  	_ =	shalt  }
0x82: {  	_ =	shalt  }
0x83: {  	_ =	shalt  }
0x84: {  	_ =	shalt  }
0x85: {  	_ =	shalt  }
0x86: {  	_ =	shalt  }
0x87: {  	_ =	shalt  }
.Lfunc_end0:
.L_simem_size_0:
called_computation_lowered:
.L_overlay_start_0:
0x88: {  	s2 =	sld [smem:$0x3FD9]  }
0x89: {  	s3 =	sld [smem:$0x3FFE];
	_ =	sdelay $0x1  }
0x8a: {  	s1 =	srdreg.scid  }
0x8b: {  	s0 =	sand.u32 $0x1, s1  }
0x8c: {  	s16 =	sshll.u32 s0, $0xA;
	s2 =	sadd.s32 s3, s2  }
0x8d: {  	s2 =	sadd.s32 s2, s16  }
0x8e: {  	[smem:$0x3FB5] =	sst s2  }
0x8f: {  	_ = 	snop  }
0x90: {  	(tm) =	ssettm $0x1  }
0x91: {  	s17 =	sld [smem:$0x3FFB];
	_ =	sdelay $0x3  }
0x92: {  	_ =	strace s17  }
0x93: {  	s2 =	sld [smem:$0x3FFC];
	_ =	sdelay $0x3  }
0x94: {  	_ =	strace s2  }
0x95: {  	s2 =	sld [smem:$0x3FFD];
	_ =	sdelay $0x3  }
0x96: {  	_ =	strace s2  }
0x97: {  	_ =	strace $0x8FFFFFFF  }
0x98: {  	s18 =	sld [smem:$0x3FDB];
	_ =	sdelay $0x1  }
0x99: {  	s19 =	simm.s32 $_scs_section_size  }
0x9a: {  	s4 =	simm.s32 $_size__tile_overlayer_lowered;
	s5 =	simm.s32 $_tile_overlayer_lowered  }
0x9b: {  	s22 =	simm.s32 $0x1BFF;
	s21 =	sshll.u32 s5, $0x1;
	s2 =	sadd.s32 s19, s18  }
0x9c: {  	s6 =	simm.s32 $0x0;
	s20 =	sshll.u32 s4, $0x1;
	s4 =	sadd.s32 s21, s2  }
0x9d: {  	[timem:s6], [sflag:s22] =	dma.local [hbm:s4], s20  }
0x9e: {  	_ =	swait.ge [sflag:s22], s20  }
0x9f: {  	s3 =	ssub.s32 $0x0, s20;
	[sflag:s22] =	ssyncset.done $0x0  }
0xa0: {  	[sflag:s22] =	ssyncadd.s32 s3;
	_ =	sdelay $0x1  }
0xa1: {  	s23 =	simm.s32 $0x1B8B  }
0xa2: {  	_ =	swait.ge [sflag:s23], $0x1  }
0xa3: {  	[sflag:s23] =	ssyncset.done $0x0  }
0xa4: {  	s25 =	simm.s32 $0x1B8E;
	s24 =	sld [smem:$0x3FFE];
	[sflag:s23] =	ssyncadd.s32 $0xFFFFFFFF  }
0xa5: {  	s26 =	simm.s32 $execute0_lowered;
	[smem:$0x3FD2] =	sst s25  }
0xa6: {  	s4 =	sshll.u32 s26, $0x1;
	_ =	strace $0x80000046;
	[dreg:$0x1] =	wrdreg $0xFFFFFFFF  }
0xa7: {  	s28 =	simm.s32 $_size_execute0_lowered;
	s2 =	sadd.s32 s2, s4;
	[dreg:$0x0] =	wrdreg $0x0  }
0xa8: {  	s4 =	sshll.u32 s28, $0x1;
	[dreg:$0x2] =	wrdreg s2  }
0xa9: {  	[dreg:$0x3] =	wrdreg s4  }
0xaa: {  	[dreg:$0x4] =	wrdreg $0xC0  }
0xab: {  	_ =	task [dreg:s6], $0x5FFFF  }
0xac: {  	[dreg:$0x1] =	wrdreg $0xFFFFFFFF  }
0xad: {  	[dreg:$0x0] =	wrdreg $0x60  }
0xae: {  	[dreg:$0x2] =	wrdreg s24  }
0xaf: {  	[dreg:$0x3] =	wrdreg $0x66300  }
0xb0: {  	[dreg:$0x4] =	wrdreg $0x9  }
0xb1: {  	_ =	task.clear_ibuf [dreg:s6], $0x5FFFF;
	_ =	strace $0x90000046  }
0xb2: {  	s29 =	simm.s32 $0x9;
	_ =	strace $0x80000048  }
0xb3: {  	_ =	swait.ge [sflag:s29], $0x1  }
0xb4: {  	[sflag:s29] =	ssyncadd.s32 $0xFFFFFFFF  }
0xb5: {  	_ =	strace $0x90000048  }
0xb6: {  	_ =	sfence  }
0xb7: {  	s30 =	sld [smem:$0x0];
	_ =	sdelay $0x2  }
0xb8: {  	s31 =	sshll.u32 s1, $0xD;
	s1 =	sshrl.u32 s1, $0x2  }
0xb9: {  	s3 =	sand.u32 $0x4000, s31;
	s1 =	sadd.s32 s1, s30  }
0xba: {  	s0 =	sor.u32 s3, s0;
	s1 =	sshll.u32 s1, $0x11  }
0xbb: {  	s0 =	sor.u32 s1, s0  }
0xbc: {  	s0 =	sadd.s32 $0x8F2B, s0  }
0xbd: {  	[sflag:s0] =	ssyncadd.remote.s32 $0x1  }
0xbe: {  	_ =	sfence.sel $0xFFFF  }
0xbf: {  	[dreg:$0x0] =	wrdreg $0xFFFFFFFF;
	(pc) =	sbr.abs _section_cstart, $3  }
0xc0: {  	[dreg:$0x1] =	wrdreg $0xFFFFFFFF  }
0xc1: {  	_ =	task.clear_ibuf [dreg:s6], $0x2FFFF;
	_ =	strace $0x9FFFFFFF  }
0xc2: {  	(tm) =	ssettm $0x7FFFFFFF  }
0xc3: {  	_ =	shalt  }
tec
execute0_lowered:
.L_overlay_start_1:
0x0: {  	(tag) =	ssettag $0x1  }
0x1: {  	s0 =	rddreg [dreg:$0x0]  }
0x2: {  	s1 =	rddreg [dreg:$0x1];
	s2 =	srdreg.scid;
	s3 =	simm.s32 $0x0  }
0x3: {  	s9 =	stileid.u32;
	s28 =	simm.s32 $0x6470;
	s29 =	simm.s32 $0x1  }
0x4: {  	s30 =	simm.s32 $0x1F4;
	s31 =	simm.s32 $0x6270;
	s2 =	sand.u32 $0x1, s2  }
0x5: {  	[smem:$0x7FF] =	sst s3;
	s18 =	sadd.s32 $0x35800, s0;
	s7 =	smul.u32 $0x3100, s9  }
0x6: {  	s16 =	smul.u32 $0xC40, s9;
	s4 =	sshll.u32 s2, $0x4;
	_ =	strace $0x80000047  }
0x7: {  	s5 =	ssub.s32 $0x2, s2;
	s2 =	smul.u32 $0xC400, s2;
	s4 =	sor.u32 s9, s4  }
0x8: {  	s6 =	sshrl.u32 s5, $0x1;
	s25 =	sshrl.u32 s7, $0x2;
	s21 =	sadd.s32 $0x380, s16  }
0x9: {  	s22 =	sadd.s32 $0x540, s16;
	s23 =	sadd.s32 $0x700, s16;
	s24 =	sadd.s32 $0x8C0, s16  }
0xa: {  	s4 =	smul.u32 $0x6270, s4;
	s8 =	ssub.s32 s5, s6;
	s6 =	sadd.s32 s16, s1  }
0xb: {  	s26 =	sadd.s32 s2, s16;
	s5 =	sadd.s32 $0x1C0, s16;
	s14 =	sadd.s32 s2, s21  }
0xc: {  	s15 =	sadd.s32 s2, s22;
	s17 =	sadd.s32 s2, s23;
	s21 =	sadd.s32 s21, s1  }
0xd: {  	s22 =	sadd.s32 s22, s1;
	s23 =	sadd.s32 s23, s1;
	s7 =	smax.u32 s8, $0x1  }
0xe: {  	s13 =	sadd.s32 s2, s5;
	s14 =	sshrl.u32 s14, $0x3;
	s15 =	sshrl.u32 s15, $0x3  }
0xf: {  	s20 =	sshrl.u32 s17, $0x3;
	s4 =	sshrl.u32 s4, $0x3;
	s13 =	sshrl.u32 s13, $0x3  }
0x10: {  	s14 =	sadd.s32 s18, s14;
	s15 =	sadd.s32 s18, s15;
	s0 =	sadd.s32 s0, s4  }
0x11: {  	s4 =	sadd.s32 s25, s1;
	s13 =	sadd.s32 s18, s13;
	s25 =	sadd.s32 $0xA80, s16  }
0x12: {  	s16 =	sadd.s32 s18, s20;
	s20 =	sadd.s32 s5, s1;
	s0 =	sadd.s32 $0x1CDC0, s0  }
0x13: {  	s8 =	sadd.s32 $0x1C0, s4;
	s9 =	sadd.s32 $0x380, s4;
	s10 =	sadd.s32 $0x540, s4  }
0x14: {  	s11 =	sadd.s32 $0x700, s4;
	s19 =	sadd.s32 $0x8C0, s4;
	[dreg:$0x3] =	wrdreg s0  }
0x15: {  	s0 =	sshrl.u32 s26, $0x3;
	s26 =	sadd.s32 s2, s24;
	s2 =	sadd.s32 s2, s25  }
0x16: {  	s24 =	sadd.s32 s24, s1;
	s25 =	sadd.s32 s25, s1;
	s12 =	sadd.s32 s18, s0  }
0x17: {  	s17 =	sshrl.u32 s26, $0x3;
	s2 =	sshrl.u32 s2, $0x3;
	s26 =	sadd.s32 $0xA80, s4  }
0x18: {  	v0 =	vimm.f32 $1.000000000e+00;
	v1 =	vimm.f32 $0.0e+00;
	s0 =	simm.s32 $0x0;
	s17 =	sadd.s32 s18, s17;
	s18 =	sadd.s32 s18, s2  }
.LBB2_1:
0x19: {  	[tilespmem:$0x6270] =	vst v0  }
0x1a: {  	[tilespmem:$0x6280] =	vst v0  }
0x1b: {  	[tilespmem:$0x6290] =	vst v0  }
0x1c: {  	[tilespmem:$0x62A0] =	vst v0  }
0x1d: {  	[tilespmem:$0x62B0] =	vst v0  }
0x1e: {  	[tilespmem:$0x62C0] =	vst v0  }
0x1f: {  	[tilespmem:$0x62D0] =	vst v0  }
0x20: {  	[tilespmem:$0x62E0] =	vst v0  }
0x21: {  	[tilespmem:$0x62F0] =	vst v0  }
0x22: {  	[tilespmem:$0x6300] =	vst v0  }
0x23: {  	[tilespmem:$0x6310] =	vst v0  }
0x24: {  	[tilespmem:$0x6320] =	vst v0  }
0x25: {  	[tilespmem:$0x6330] =	vst v0  }
0x26: {  	[tilespmem:$0x6340] =	vst v0  }
0x27: {  	[tilespmem:$0x6350] =	vst v0  }
0x28: {  	[tilespmem:$0x6360] =	vst v0  }
0x29: {  	[tilespmem:$0x6370] =	vst v0  }
0x2a: {  	[tilespmem:$0x6380] =	vst v0  }
0x2b: {  	[tilespmem:$0x6390] =	vst v0  }
0x2c: {  	[tilespmem:$0x63A0] =	vst v0  }
0x2d: {  	[tilespmem:$0x63B0] =	vst v0  }
0x2e: {  	[tilespmem:$0x63C0] =	vst v0  }
0x2f: {  	[tilespmem:$0x63D0] =	vst v0  }
0x30: {  	[tilespmem:$0x63E0] =	vst v0  }
0x31: {  	[tilespmem:$0x63F0] =	vst v0  }
0x32: {  	[tilespmem:$0x6400] =	vst v0  }
0x33: {  	[tilespmem:$0x6410] =	vst v0  }
0x34: {  	[tilespmem:$0x6420] =	vst v0  }
0x35: {  	[tilespmem:$0x6430] =	vst v0  }
0x36: {  	[tilespmem:$0x6440] =	vst v0  }
0x37: {  	[tilespmem:$0x6450] =	vst v0  }
0x38: {  	[tilespmem:$0x6460] =	vst v0  }
0x39: {  	[tilespmem:$0x6470] =	vst v1  }
0x3a: {  	[tilespmem:$0x6480] =	vst v1  }
0x3b: {  	[tilespmem:$0x6490] =	vst v1  }
0x3c: {  	[tilespmem:$0x64A0] =	vst v1  }
0x3d: {  	[tilespmem:$0x64B0] =	vst v1  }
0x3e: {  	[tilespmem:$0x64C0] =	vst v1  }
0x3f: {  	[tilespmem:$0x64D0] =	vst v1  }
0x40: {  	[tilespmem:$0x64E0] =	vst v1  }
0x41: {  	[tilespmem:$0x64F0] =	vst v1  }
0x42: {  	[tilespmem:$0x6500] =	vst v1  }
0x43: {  	[tilespmem:$0x6510] =	vst v1  }
0x44: {  	[tilespmem:$0x6520] =	vst v1  }
0x45: {  	[tilespmem:$0x6530] =	vst v1  }
0x46: {  	[tilespmem:$0x6540] =	vst v1  }
0x47: {  	[tilespmem:$0x6550] =	vst v1  }
0x48: {  	[tilespmem:$0x6560] =	vst v1  }
0x49: {  	[tilespmem:$0x6570] =	vst v1  }
0x4a: {  	[tilespmem:$0x6580] =	vst v1  }
0x4b: {  	[tilespmem:$0x6590] =	vst v1  }
0x4c: {  	[tilespmem:$0x65A0] =	vst v1  }
0x4d: {  	[tilespmem:$0x65B0] =	vst v1  }
0x4e: {  	[tilespmem:$0x65C0] =	vst v1  }
0x4f: {  	[tilespmem:$0x65D0] =	vst v1  }
0x50: {  	[tilespmem:$0x65E0] =	vst v1  }
0x51: {  	[tilespmem:$0x65F0] =	vst v1  }
0x52: {  	[tilespmem:$0x6600] =	vst v1  }
0x53: {  	[tilespmem:$0x6610] =	vst v1  }
0x54: {  	[tilespmem:$0x6620] =	vst v1  }
0x55: {  	[spmem:s4] =	stream.linear.scatter [tilespmem:s28], [sflag:$0x1], $0x1C0, $0x38;
	[tilespmem:$0x7270] =	vst v63  }
0x56: {  	_ =	swait.ge [sflag:s29], $0x1C0  }
0x57: {  	[sflag:s29] =	ssyncset.done $0x0  }
0x58: {  	[sflag:s29] =	ssyncadd.s32 $0xFFFFFE40  }
0x59: {  	[spmem:s8] =	stream.linear.scatter [tilespmem:s28], [sflag:$0x1], $0x1C0, $0x38;
	[tilespmem:$0x7270] =	vst v63  }
0x5a: {  	_ =	swait.ge [sflag:s29], $0x1C0  }
0x5b: {  	[sflag:s29] =	ssyncset.done $0x0  }
0x5c: {  	[sflag:s29] =	ssyncadd.s32 $0xFFFFFE40  }
0x5d: {  	[spmem:s9] =	stream.linear.scatter [tilespmem:s28], [sflag:$0x1], $0x1C0, $0x38;
	[tilespmem:$0x7270] =	vst v63  }
0x5e: {  	_ =	swait.ge [sflag:s29], $0x1C0  }
0x5f: {  	[sflag:s29] =	ssyncset.done $0x0  }
0x60: {  	[sflag:s29] =	ssyncadd.s32 $0xFFFFFE40  }
0x61: {  	[spmem:s10] =	stream.linear.scatter [tilespmem:s28], [sflag:$0x1], $0x1C0, $0x38;
	[tilespmem:$0x7270] =	vst v63  }
0x62: {  	_ =	swait.ge [sflag:s29], $0x1C0  }
0x63: {  	[sflag:s29] =	ssyncset.done $0x0  }
0x64: {  	[sflag:s29] =	ssyncadd.s32 $0xFFFFFE40  }
0x65: {  	[spmem:s11] =	stream.linear.scatter [tilespmem:s28], [sflag:$0x1], $0x1C0, $0x38;
	[tilespmem:$0x7270] =	vst v63  }
0x66: {  	_ =	swait.ge [sflag:s29], $0x1C0  }
0x67: {  	[sflag:s29] =	ssyncset.done $0x0  }
0x68: {  	[sflag:s29] =	ssyncadd.s32 $0xFFFFFE40  }
0x69: {  	[spmem:s19] =	stream.linear.scatter [tilespmem:s28], [sflag:$0x1], $0x1C0, $0x38;
	[tilespmem:$0x7270] =	vst v63  }
0x6a: {  	_ =	swait.ge [sflag:s29], $0x1C0  }
0x6b: {  	[sflag:s29] =	ssyncset.done $0x0  }
0x6c: {  	[sflag:s29] =	ssyncadd.s32 $0xFFFFFE40  }
0x6d: {  	[spmem:s26] =	stream.linear.scatter [tilespmem:s28], [sflag:$0x1], $0x1C0, $0x38;
	[tilespmem:$0x7270] =	vst v63  }
0x6e: {  	_ =	swait.ge [sflag:s29], $0x1C0  }
0x6f: {  	[sflag:s29] =	ssyncset.done $0x0  }
0x70: {  	s2 =	rddreg [dreg:$0x3];
	[sflag:s29] =	ssyncadd.s32 $0xFFFFFE40  }
0x71: {  	[tilespmem:s3], [sflag:$0x1] =	stream.linear.gather [hbm4b:s2+s3], $0x6270, $0x38;
	[tilespmem:$0x7270] =	vst v63  }
0x72: {  	_ =	swait.ge [sflag:s29], $0x6270  }
0x73: {  	[sflag:s29] =	ssyncset.done $0x0  }
0x74: {  	[sflag:s29] =	ssyncadd.s32 $0xFFFF9D90  }
0x75: {  	s5 =	simm.s32 $0x0;
	[bflag:$0x0] =	sbarrier.arrive $0xFFFF  }
0x76: {  	[spmem:s1] =	stream.indirect.scatter.add.f32 [tilespmem:s31], [sflag:$0x1], $0x1, s5, s30, $0xb8;
	[tilespmem:$0x7270] =	vst v63  }
0x77: {  	_ =	swait.ge [sflag:s29], $0x1F4  }
0x78: {  	s2 =	simm.s32 $0x7E0;
	[sflag:s29] =	ssyncset.done $0x0  }
.LBB2_2:
0x79: {  	s5 =	sshra.s32 s2, $0x2;
	[sflag:s29] =	ssyncadd.s32 $0xFFFFFE0C;
	p0 =	sne.s32 s2, $0x181E0  }
0x7a: {  	[spmem:s1] =	stream.indirect.scatter.add.f32 [tilespmem:s31], [sflag:$0x1], $0x1, s5, s30, $0xb8;
	[tilespmem:$0x7270] =	vst v63  }
.Ltmp0:
0x7b: {  	_ = 	snop;
	(pc) =	sbr.rel @p0 .LBB2_2-.Ltmp0, $4  }
0x7c: {  	_ = 	snop  }
0x7d: {  	s2 =	sadd.s32 $0x7E0, s2  }
0x7e: {  	_ =	swait.ge [sflag:s29], $0x1F4  }
0x7f: {  	[sflag:s29] =	ssyncset.done $0x0  }
0x80: {  	[sflag:s29] =	ssyncadd.s32 $0xFFFFFE0C  }
0x81: {  	[bflag:$0x0] =	sbarrier.arrive $0xFFFF  }
0x82: {  	[tilespmem:s28], [sflag:$0x1] =	stream.linear.gather [spmem:s6], $0x1C0, $0x38;
	[tilespmem:$0x7270] =	vst v63  }
0x83: {  	_ =	swait.ge [sflag:s29], $0x1C0  }
0x84: {  	[sflag:s29] =	ssyncset.done $0x0  }
0x85: {  	[sflag:s29] =	ssyncadd.s32 $0xFFFFFE40  }
0x86: {  	[hbm4b:s12+s3] =	stream.linear.scatter [tilespmem:s28], [sflag:$0x1], $0x1C0, $0x38;
	[tilespmem:$0x7270] =	vst v63  }
0x87: {  	_ =	swait.ge [sflag:s29], $0x1C0  }
0x88: {  	[sflag:s29] =	ssyncset.done $0x0  }
0x89: {  	[sflag:s29] =	ssyncadd.s32 $0xFFFFFE40  }
0x8a: {  	[tilespmem:s28], [sflag:$0x1] =	stream.linear.gather [spmem:s20], $0x1C0, $0x38;
	[tilespmem:$0x7270] =	vst v63  }
0x8b: {  	_ =	swait.ge [sflag:s29], $0x1C0  }
0x8c: {  	[sflag:s29] =	ssyncset.done $0x0  }
0x8d: {  	[sflag:s29] =	ssyncadd.s32 $0xFFFFFE40  }
0x8e: {  	[hbm4b:s13+s3] =	stream.linear.scatter [tilespmem:s28], [sflag:$0x1], $0x1C0, $0x38;
	[tilespmem:$0x7270] =	vst v63  }
0x8f: {  	_ =	swait.ge [sflag:s29], $0x1C0  }
0x90: {  	[sflag:s29] =	ssyncset.done $0x0  }
0x91: {  	[sflag:s29] =	ssyncadd.s32 $0xFFFFFE40  }
0x92: {  	[tilespmem:s28], [sflag:$0x1] =	stream.linear.gather [spmem:s21], $0x1C0, $0x38;
	[tilespmem:$0x7270] =	vst v63  }
0x93: {  	_ =	swait.ge [sflag:s29], $0x1C0  }
0x94: {  	[sflag:s29] =	ssyncset.done $0x0  }
0x95: {  	[sflag:s29] =	ssyncadd.s32 $0xFFFFFE40  }
0x96: {  	[hbm4b:s14+s3] =	stream.linear.scatter [tilespmem:s28], [sflag:$0x1], $0x1C0, $0x38;
	[tilespmem:$0x7270] =	vst v63  }
0x97: {  	_ =	swait.ge [sflag:s29], $0x1C0  }
0x98: {  	[sflag:s29] =	ssyncset.done $0x0  }
0x99: {  	[sflag:s29] =	ssyncadd.s32 $0xFFFFFE40  }
0x9a: {  	[tilespmem:s28], [sflag:$0x1] =	stream.linear.gather [spmem:s22], $0x1C0, $0x38;
	[tilespmem:$0x7270] =	vst v63  }
0x9b: {  	_ =	swait.ge [sflag:s29], $0x1C0  }
0x9c: {  	[sflag:s29] =	ssyncset.done $0x0  }
0x9d: {  	[sflag:s29] =	ssyncadd.s32 $0xFFFFFE40  }
0x9e: {  	[hbm4b:s15+s3] =	stream.linear.scatter [tilespmem:s28], [sflag:$0x1], $0x1C0, $0x38;
	[tilespmem:$0x7270] =	vst v63  }
0x9f: {  	_ =	swait.ge [sflag:s29], $0x1C0  }
0xa0: {  	[sflag:s29] =	ssyncset.done $0x0  }
0xa1: {  	[sflag:s29] =	ssyncadd.s32 $0xFFFFFE40  }
0xa2: {  	[tilespmem:s28], [sflag:$0x1] =	stream.linear.gather [spmem:s23], $0x1C0, $0x38;
	[tilespmem:$0x7270] =	vst v63  }
0xa3: {  	_ =	swait.ge [sflag:s29], $0x1C0  }
0xa4: {  	[sflag:s29] =	ssyncset.done $0x0  }
0xa5: {  	[sflag:s29] =	ssyncadd.s32 $0xFFFFFE40  }
0xa6: {  	[hbm4b:s16+s3] =	stream.linear.scatter [tilespmem:s28], [sflag:$0x1], $0x1C0, $0x38;
	[tilespmem:$0x7270] =	vst v63  }
0xa7: {  	_ =	swait.ge [sflag:s29], $0x1C0  }
0xa8: {  	[sflag:s29] =	ssyncset.done $0x0  }
0xa9: {  	[sflag:s29] =	ssyncadd.s32 $0xFFFFFE40  }
0xaa: {  	[tilespmem:s28], [sflag:$0x1] =	stream.linear.gather [spmem:s24], $0x1C0, $0x38;
	[tilespmem:$0x7270] =	vst v63  }
0xab: {  	_ =	swait.ge [sflag:s29], $0x1C0  }
0xac: {  	[sflag:s29] =	ssyncset.done $0x0  }
0xad: {  	[sflag:s29] =	ssyncadd.s32 $0xFFFFFE40  }
0xae: {  	[hbm4b:s17+s3] =	stream.linear.scatter [tilespmem:s28], [sflag:$0x1], $0x1C0, $0x38;
	[tilespmem:$0x7270] =	vst v63  }
0xaf: {  	_ =	swait.ge [sflag:s29], $0x1C0  }
0xb0: {  	[sflag:s29] =	ssyncset.done $0x0  }
0xb1: {  	[sflag:s29] =	ssyncadd.s32 $0xFFFFFE40  }
0xb2: {  	[tilespmem:s28], [sflag:$0x1] =	stream.linear.gather [spmem:s25], $0x1C0, $0x38;
	[tilespmem:$0x7270] =	vst v63  }
0xb3: {  	s0 =	sadd.s32 $0x1, s0;
	_ =	swait.ge [sflag:s29], $0x1C0  }
0xb4: {  	p0 =	sne.s32 s0, s7;
	[sflag:s29] =	ssyncset.done $0x0  }
.Ltmp1:
0xb5: {  	[sflag:s29] =	ssyncadd.s32 $0xFFFFFE40;
	(pc) =	sbr.rel @p0 .LBB2_1-.Ltmp1, $4  }
0xb6: {  	[hbm4b:s18+s3] =	stream.linear.scatter [tilespmem:s28], [sflag:$0x1], $0x1C0, $0x38;
	[tilespmem:$0x7270] =	vst v63  }
0xb7: {  	_ =	swait.ge [sflag:s29], $0x1C0  }
0xb8: {  	[sflag:s29] =	ssyncset.done $0x0  }
0xb9: {  	[sflag:s29] =	ssyncadd.s32 $0xFFFFFE40  }
0xba: {  	_ =	sfence.sel $0x180000  }
0xbb: {  	[bflag:$0x0] =	sbarrier.arrive $0xFFFF  }
0xbc: {  	_ =	strace $0x90000047  }
0xbd: {  	s0 =	stileid.u32;
	[bflag:$0x2] =	sbarrier.arrive $0xFFFF  }
0xbe: {  	p0 =	sne.s32 s0, $0x0;
	s0 =	rddreg [dreg:$0x2]  }
0xbf: {  	s0 =	sadd.s32 @!p0 $0x100000, s0  }
0xc0: {  	[sflag:s0] =	ssyncadd.tile.s32 @!p0 $0x1;
	_ =	shalt  }
.Lfunc_end2:
_tile_overlayer_lowered:
.L_overlay_start_2:
0xc1: {  	(tag) =	ssettag $0x2  }
0xc2: {  	s0 =	rddreg [dreg:$0x0];
	s2 =	stileid.u32  }
0xc3: {  	s1 =	rddreg [dreg:$0x1];
	p0 =	sne.s32 s2, $0x0  }
0xc4: {  	s3 =	rddreg [dreg:$0x2];
	[bflag:$0x3] =	sbarrier.arrive $0xFFFF;
	s2 =	simm.s32 @!p0 $0x1C01  }
0xc5: {  	[timem:s3], [sflag:s2] =	dma.local @!p0 [hbm:s0], s1  }
0xc6: {  	s0 =	simm.s32 @!p0 $0x1  }
0xc7: {  	_ =	swait.ge @!p0 [sflag:s0], s1  }
0xc8: {  	s1 =	ssub.s32 @!p0 $0x0, s1;
	[sflag:s0] =	ssyncset.done @!p0 $0x0  }
0xc9: {  	[sflag:s0] =	ssyncadd.s32 @!p0 s1  }
0xca: {  	[bflag:$0x3] =	sbarrier.arrive $0xFFFF  }
0xcb: {  	_ =	shalt  }

// kernel: kernel.9.cloned.1.call-start
scs
__scs_entry_jumppad:
0x0: {  	(pc) =	sbr.rel $0x88, $3  }
0x1: {  	(tag) =	ssettag $0x0;
	lr =	simm.s32 $0x1  }
0x2: {  	[smem:$0x3F8E] =	sst lr;
	_ =	strace $0xD0000000  }
0x3: {  	_ = 	snop  }
0x4: {  	_ = 	snop  }
0x5: {  	_ = 	snop  }
0x6: {  	_ = 	snop  }
0x7: {  	_ = 	snop  }
__scs_overlays_trampoline_lowered:
0x8: {  	[smem:$0x3F9D] =	sst s0  }
0x9: {  	[smem:$0x3F9E] =	sst s1  }
0xa: {  	[smem:$0x3F9F] =	sst s2  }
0xb: {  	[smem:$0x3FA0] =	sst s3  }
0xc: {  	[smem:$0x3FA1] =	sst s4  }
0xd: {  	[smem:$0x3FA2] =	sst s5  }
0xe: {  	[smem:$0x3FA3] =	sst s6  }
0xf: {  	[smem:$0x3FA4] =	sst s7  }
0x10: {  	[smem:$0x3FA5] =	sst s8  }
0x11: {  	[smem:$0x3FA6] =	sst s9;
	s0 =	simm.s32 @!p0 $0x0  }
0x12: {  	s1 =	sld [smem:$0x3F8C];
	s0 =	simm.s32 @p0 $0x1  }
0x13: {  	[smem:$0x3FA7] =	sst s0;
	s0 =	simm.s32 @!p1 $0x0  }
0x14: {  	s2 =	sld [smem:$0x3F8B];
	s0 =	simm.s32 @p1 $0x1  }
0x15: {  	[smem:$0x3FA8] =	sst s0;
	s0 =	simm.s32 @!p2 $0x0  }
0x16: {  	s3 =	sld [smem:$0x3FDB];
	s0 =	simm.s32 @p2 $0x1  }
0x17: {  	s4 =	simm.s32 $0x1BF5;
	[smem:$0x3FAA] =	sst s0  }
0x18: {  	s0 =	sld [smem:$0x3F8D];
	_ =	swait.ge [sflag:s4], $0x0  }
0x19: {  	s7 =	sld [smem:$0x3F8E]  }
0x1a: {  	s8 =	sadd.s32 $0xFFFFE003, lr  }
0x1b: {  	s9 =	sadd.s32 $0xFFFFFEF7, lr;
	s5 =	simm.s32 $0xFFFFFFFF;
	p2 =	slt.u32 s8, $0xFFFFF086  }
0x1c: {  	p1 =	slt.u32 s9, $0xF7A;
	s5 =	simm.s32 @!p2 $0x0  }
0x1d: {  	s5 =	simm.s32 @p1 $0x1;
	p0 =	seq.s32 s7, s2  }
0x1e: {  	s7 =	smul.u32 @!p0 $0xF7A, s2;
	p2 =	seq.s32 @!p0 s5, $0x0  }
0x1f: {  	s9 =	smul.u32 $0xF7A, s1;
	s8 =	simm.s32 @!p0 $0x1BF5;
	p2 =	por !p2, p0  }
0x20: {  	[sflag:s8] =	ssyncset.s32 @!p0 $0xFFFFF086;
	s6 =	sadd.s32 @!p0 s3, s7;
	s7 =	simm.s32 @!p0 $0x108  }
0x21: {  	s3 =	sadd.s32 s3, s9;
	s6 =	sadd.s32 @!p0 $0x88, s6;
	s7 =	simm.s32 @p2 $0x1082  }
0x22: {  	[simem:s7], [sflag:s8] =	dma.local @!p0 [hbm:s6], $0xF7A  }
0x23: {  	s9 =	sor.u32 $0xD0000000, s2;
	s6 =	simm.s32 $0x108;
	_ =	swait.ge @!p0 [sflag:s8], $0x0  }
0x24: {  	s3 =	sadd.s32 $0x88, s3;
	s6 =	simm.s32 @!p1 $0x1082;
	[sflag:s4] =	ssyncset.s32 $0xFFFFF086  }
0x25: {  	[simem:s6], [sflag:s4] =	dma.local [hbm:s3], $0xF7A  }
0x26: {  	[smem:$0x3F8E] =	sst s1;
	(tag) =	ssettag s2;
	_ =	strace s9  }
0x27: {  	s1 =	sld [smem:$0x3F9E]  }
0x28: {  	s2 =	sld [smem:$0x3F9F]  }
0x29: {  	s4 =	sld [smem:$0x3FA1]  }
0x2a: {  	p0 =	seq.s32 s5, $0x0;
	s5 =	sld [smem:$0x3FA2]  }
0x2b: {  	s6 =	sld [smem:$0x3FA3]  }
0x2c: {  	s7 =	sld [smem:$0x3FA4]  }
0x2d: {  	s3 =	simm.s32 $0x108;
	s8 =	sld [smem:$0x3FA5]  }
0x2e: {  	s3 =	simm.s32 @!p0 $0x1082;
	s9 =	sld [smem:$0x3FA6]  }
0x2f: {  	lr =	sadd.s32 s0, s3;
	s0 =	sld [smem:$0x3F9D]  }
0x30: {  	s3 =	sld [smem:$0x3FA0]  }
0x31: {  	[smem:$0x3FA9] =	sst s10  }
0x32: {  	s10 =	sld [smem:$0x3FA7];
	_ =	sdelay $0x3  }
0x33: {  	p0 =	seq.s32 s10, $0x1;
	s10 =	sld [smem:$0x3FA9];
	_ =	sdelay $0x3  }
0x34: {  	[smem:$0x3FA9] =	sst s10  }
0x35: {  	s10 =	sld [smem:$0x3FA8];
	_ =	sdelay $0x3  }
0x36: {  	p1 =	seq.s32 s10, $0x1;
	s10 =	sld [smem:$0x3FA9];
	_ =	sdelay $0x3  }
0x37: {  	[smem:$0x3FA9] =	sst s10  }
0x38: {  	s10 =	sld [smem:$0x3FAA]  }
0x39: {  	_ = 	snop;
	(pc) =	sbr.ind lr, $3  }
0x3a: {  	_ = 	snop  }
0x3b: {  	_ = 	snop  }
0x3c: {  	p2 =	seq.s32 s10, $0x1;
	s10 =	sld [smem:$0x3FA9]  }
0x3d: {  	_ =	shalt  }
0x3e: {  	_ =	shalt  }
0x3f: {  	_ =	shalt  }
0x40: {  	_ =	shalt  }
0x41: {  	_ =	shalt  }
0x42: {  	_ =	shalt  }
0x43: {  	_ =	shalt  }
0x44: {  	_ =	shalt  }
0x45: {  	_ =	shalt  }
0x46: {  	_ =	shalt  }
0x47: {  	_ =	shalt  }
0x48: {  	_ =	shalt  }
0x49: {  	_ =	shalt  }
0x4a: {  	_ =	shalt  }
0x4b: {  	_ =	shalt  }
0x4c: {  	_ =	shalt  }
0x4d: {  	_ =	shalt  }
0x4e: {  	_ =	shalt  }
0x4f: {  	_ =	shalt  }
0x50: {  	_ =	shalt  }
0x51: {  	_ =	shalt  }
0x52: {  	_ =	shalt  }
0x53: {  	_ =	shalt  }
0x54: {  	_ =	shalt  }
0x55: {  	_ =	shalt  }
0x56: {  	_ =	shalt  }
0x57: {  	_ =	shalt  }
0x58: {  	_ =	shalt  }
0x59: {  	_ =	shalt  }
0x5a: {  	_ =	shalt  }
0x5b: {  	_ =	shalt  }
0x5c: {  	_ =	shalt  }
0x5d: {  	_ =	shalt  }
0x5e: {  	_ =	shalt  }
0x5f: {  	_ =	shalt  }
0x60: {  	_ =	shalt  }
0x61: {  	_ =	shalt  }
0x62: {  	_ =	shalt  }
0x63: {  	_ =	shalt  }
0x64: {  	_ =	shalt  }
0x65: {  	_ =	shalt  }
0x66: {  	_ =	shalt  }
0x67: {  	_ =	shalt  }
0x68: {  	_ =	shalt  }
0x69: {  	_ =	shalt  }
0x6a: {  	_ =	shalt  }
0x6b: {  	_ =	shalt  }
0x6c: {  	_ =	shalt  }
0x6d: {  	_ =	shalt  }
0x6e: {  	_ =	shalt  }
0x6f: {  	_ =	shalt  }
0x70: {  	_ =	shalt  }
0x71: {  	_ =	shalt  }
0x72: {  	_ =	shalt  }
0x73: {  	_ =	shalt  }
0x74: {  	_ =	shalt  }
0x75: {  	_ =	shalt  }
0x76: {  	_ =	shalt  }
0x77: {  	_ =	shalt  }
0x78: {  	_ =	shalt  }
0x79: {  	_ =	shalt  }
0x7a: {  	_ =	shalt  }
0x7b: {  	_ =	shalt  }
0x7c: {  	_ =	shalt  }
0x7d: {  	_ =	shalt  }
0x7e: {  	_ =	shalt  }
0x7f: {  	_ =	shalt  }
0x80: {  	_ =	shalt  }
0x81: {  	_ =	shalt  }
0x82: {  	_ =	shalt  }
0x83: {  	_ =	shalt  }
0x84: {  	_ =	shalt  }
0x85: {  	_ =	shalt  }
0x86: {  	_ =	shalt  }
0x87: {  	_ =	shalt  }
.Lfunc_end0:
.L_simem_size_0:
called_computation.1_lowered:
.L_overlay_start_0:
0x88: {  	s2 =	sld [smem:$0x3FD9]  }
0x89: {  	s3 =	sld [smem:$0x3FFE];
	_ =	sdelay $0x1  }
0x8a: {  	s1 =	srdreg.scid  }
0x8b: {  	s0 =	sand.u32 $0x1, s1  }
0x8c: {  	s16 =	sshll.u32 s0, $0xA;
	s2 =	sadd.s32 s3, s2  }
0x8d: {  	s2 =	sadd.s32 s2, s16  }
0x8e: {  	[smem:$0x3FB5] =	sst s2  }
0x8f: {  	_ = 	snop  }
0x90: {  	(tm) =	ssettm $0x1  }
0x91: {  	s17 =	sld [smem:$0x3FFB];
	_ =	sdelay $0x3  }
0x92: {  	_ =	strace s17  }
0x93: {  	s2 =	sld [smem:$0x3FFC];
	_ =	sdelay $0x3  }
0x94: {  	_ =	strace s2  }
0x95: {  	s2 =	sld [smem:$0x3FFD];
	_ =	sdelay $0x3  }
0x96: {  	_ =	strace s2  }
0x97: {  	_ =	strace $0x8FFFFFFF  }
0x98: {  	s18 =	sld [smem:$0x3FDB];
	_ =	sdelay $0x1  }
0x99: {  	s19 =	simm.s32 $_scs_section_size  }
0x9a: {  	s4 =	simm.s32 $_size__tile_overlayer_lowered;
	s5 =	simm.s32 $_tile_overlayer_lowered  }
0x9b: {  	s22 =	simm.s32 $0x1BFF;
	s21 =	sshll.u32 s5, $0x1;
	s2 =	sadd.s32 s19, s18  }
0x9c: {  	s6 =	simm.s32 $0x0;
	s20 =	sshll.u32 s4, $0x1;
	s4 =	sadd.s32 s21, s2  }
0x9d: {  	[timem:s6], [sflag:s22] =	dma.local [hbm:s4], s20  }
0x9e: {  	_ =	swait.ge [sflag:s22], s20  }
0x9f: {  	s3 =	ssub.s32 $0x0, s20;
	[sflag:s22] =	ssyncset.done $0x0  }
0xa0: {  	[sflag:s22] =	ssyncadd.s32 s3;
	_ =	sdelay $0x1  }
0xa1: {  	s23 =	simm.s32 $0x1B8B  }
0xa2: {  	_ =	swait.ge [sflag:s23], $0x1  }
0xa3: {  	[sflag:s23] =	ssyncset.done $0x0  }
0xa4: {  	s25 =	simm.s32 $0x1B8E;
	s24 =	sld [smem:$0x3FFE];
	[sflag:s23] =	ssyncadd.s32 $0xFFFFFFFF  }
0xa5: {  	s26 =	simm.s32 $execute0_lowered;
	[smem:$0x3FD2] =	sst s25  }
0xa6: {  	s4 =	sshll.u32 s26, $0x1;
	_ =	strace $0x80000049;
	[dreg:$0x1] =	wrdreg $0xFFFFFFFF  }
0xa7: {  	s28 =	simm.s32 $_size_execute0_lowered;
	s2 =	sadd.s32 s2, s4;
	[dreg:$0x0] =	wrdreg $0x0  }
0xa8: {  	s4 =	sshll.u32 s28, $0x1;
	[dreg:$0x2] =	wrdreg s2  }
0xa9: {  	[dreg:$0x3] =	wrdreg s4  }
0xaa: {  	[dreg:$0x4] =	wrdreg $0xC0  }
0xab: {  	_ =	task [dreg:s6], $0x5FFFF  }
0xac: {  	[dreg:$0x1] =	wrdreg $0xFFFFFFFF  }
0xad: {  	[dreg:$0x0] =	wrdreg $0x60  }
0xae: {  	[dreg:$0x2] =	wrdreg s24  }
0xaf: {  	[dreg:$0x3] =	wrdreg $0x10B900  }
0xb0: {  	[dreg:$0x4] =	wrdreg $0x1CF900  }
0xb1: {  	[dreg:$0x5] =	wrdreg $0x9  }
0xb2: {  	_ =	task.clear_ibuf [dreg:s6], $0x6FFFF;
	_ =	strace $0x90000049  }
0xb3: {  	s29 =	simm.s32 $0x9;
	_ =	strace $0x8000004B  }
0xb4: {  	_ =	swait.ge [sflag:s29], $0x1  }
0xb5: {  	[sflag:s29] =	ssyncadd.s32 $0xFFFFFFFF  }
0xb6: {  	_ =	strace $0x9000004B  }
0xb7: {  	_ =	sfence  }
0xb8: {  	s30 =	sld [smem:$0x0];
	_ =	sdelay $0x2  }
0xb9: {  	s31 =	sshll.u32 s1, $0xD;
	s1 =	sshrl.u32 s1, $0x2  }
0xba: {  	s3 =	sand.u32 $0x4000, s31;
	s1 =	sadd.s32 s1, s30  }
0xbb: {  	s0 =	sor.u32 s3, s0;
	s1 =	sshll.u32 s1, $0x11  }
0xbc: {  	s0 =	sor.u32 s1, s0  }
0xbd: {  	s0 =	sadd.s32 $0x8F2B, s0  }
0xbe: {  	[sflag:s0] =	ssyncadd.remote.s32 $0x1  }
0xbf: {  	_ =	sfence.sel $0xFFFF  }
0xc0: {  	[dreg:$0x0] =	wrdreg $0xFFFFFFFF;
	(pc) =	sbr.abs _section_cstart, $3  }
0xc1: {  	[dreg:$0x1] =	wrdreg $0xFFFFFFFF  }
0xc2: {  	_ =	task.clear_ibuf [dreg:s6], $0x2FFFF;
	_ =	strace $0x9FFFFFFF  }
0xc3: {  	(tm) =	ssettm $0x7FFFFFFF  }
tec
execute0_lowered:
.L_overlay_start_1:
0x0: {  	(tag) =	ssettag $0x1  }
0x1: {  	s0 =	srdreg.scid;
	s7 =	rddreg [dreg:$0x0]  }
0x2: {  	s12 =	stileid.u32;
	s2 =	rddreg [dreg:$0x1]  }
0x3: {  	s3 =	rddreg [dreg:$0x2];
	s4 =	simm.s32 $0x0;
	s14 =	simm.s32 $0x10750  }
0x4: {  	s15 =	simm.s32 $0x5;
	s16 =	simm.s32 $0x10B50;
	s17 =	simm.s32 $0x6270  }
0x5: {  	s18 =	simm.s32 $0x1F4;
	s19 =	simm.s32 $0xC4E0;
	s20 =	simm.s32 $0x10360  }
0x6: {  	s21 =	simm.s32 $0xE420;
	s22 =	simm.s32 $0x10558;
	s9 =	smul.u32 $0xC40, s12  }
0x7: {  	s28 =	simm.s32 $0x6078;
	s29 =	simm.s32 $0xC2E8;
	s23 =	smul.u32 $0x3100, s12  }
0x8: {  	s0 =	sand.u32 $0x1, s0;
	[smem:$0x7FF] =	sst s4;
	s11 =	smul.u32 $0x31000, s12  }
0x9: {  	s5 =	sadd.s32 $0xFC000, s7;
	s6 =	sadd.s32 $0x35800, s7;
	s8 =	smul.u32 $0x18800, s0  }
0xa: {  	s1 =	sshll.u32 s0, $0x4;
	s10 =	smul.u32 $0xC400, s0;
	s0 =	ssub.s32 $0x2, s0  }
0xb: {  	_ =	strace $0x8000004A;
	s1 =	sor.u32 s12, s1;
	s24 =	sshrl.u32 s0, $0x1  }
0xc: {  	s12 =	smul.u32 $0x1880, s12;
	s26 =	sshrl.u32 s23, $0x2;
	s30 =	sshrl.u32 s11, $0x2  }
0xd: {  	s23 =	simm.s32 $0x1;
	s1 =	smul.u32 $0x6270, s1;
	s8 =	sadd.s32 s8, s7  }
0xe: {  	s9 =	sadd.s32 s9, s10;
	s0 =	ssub.s32 s0, s24;
	s10 =	sadd.s32 s26, s3  }
0xf: {  	s11 =	sadd.s32 s30, s2;
	s24 =	simm.s32 $0x3;
	s26 =	simm.s32 $0x4  }
0x10: {  	s9 =	sshrl.u32 s9, $0x3;
	s0 =	smax.u32 s0, $0x1;
	s1 =	sshrl.u32 s1, $0x3  }
0x11: {  	s31 =	sadd.s32 s12, s8;
	[dreg:$0x6] =	wrdreg s0;
	s1 =	sadd.s32 s1, s7  }
0x12: {  	s12 =	sadd.s32 $0x114800, s31;
	s7 =	sadd.s32 s9, s7;
	s25 =	sadd.s32 $0x4400, s1  }
0x13: {  	s1 =	sadd.s32 $0x1CDC0, s1;
	s13 =	sadd.s32 $0x145800, s7;
	[dreg:$0x4] =	wrdreg s25  }
0x14: {  	v0 =	vimm.f32 $0.0e+00;
	v1 =	vimm.bf16 $0.0e+00;
	[dreg:$0x5] =	wrdreg s1;
	s25 =	simm.s32 $0x2;
	s1 =	simm.s32 $0x0  }
.LBB2_1:
0x15: {  	[tilespmem:$0x10B50] =	vst v0  }
0x16: {  	[tilespmem:$0x10B60] =	vst v0  }
0x17: {  	[tilespmem:$0x10B70] =	vst v0  }
0x18: {  	[tilespmem:$0x10B80] =	vst v0;
	s0 =	simm.s32 $0x0  }
.LBB2_2:
0x19: {  	p0 =	sne.s32 s0, $0xFC0  }
.Ltmp0:
0x1a: {  	_ = 	snop;
	(pc) =	sbr.rel @p0 .LBB2_2-.Ltmp0, $3  }
0x1b: {  	_ =	sdelay $0x1  }
0x1c: {  	s7 =	sshra.s32 s0, $0x2  }
0x1d: {  	s0 =	sadd.s32 $0x40, s0;
	[tilespmem:s7+$0x10750] =	vst v1  }
0x1e: {  	[spmem:s11] =	stream.linear.scatter [tilespmem:s14], [sflag:$0x5], $0x400, $0x38;
	[tilespmem:$0x1DBD0] =	vst v63  }
0x1f: {  	_ =	swait.ge [sflag:s15], $0x400  }
0x20: {  	[sflag:s15] =	ssyncset.done $0x0  }
0x21: {  	s0 =	sadd.s32 $0x0, s10;
	[sflag:s15] =	ssyncadd.s32 $0xFFFFFC00  }
0x22: {  	[spmem:s0] =	stream.linear.scatter [tilespmem:s16], [sflag:$0x5], $0x40, $0x38;
	[tilespmem:$0x1DBD0] =	vst v63  }
0x23: {  	_ =	swait.ge [sflag:s15], $0x40  }
0x24: {  	s7 =	smov.u32 s11;
	s0 =	simm.s32 $0x100;
	[sflag:s15] =	ssyncset.done $0x0  }
.LBB2_4:
0x25: {  	p0 =	sne.s32 s0, $0x3000;
	[sflag:s15] =	ssyncadd.s32 $0xFFFFFFC0;
	s7 =	sadd.s32 $0x400, s7  }
0x26: {  	[spmem:s7] =	stream.linear.scatter [tilespmem:s14], [sflag:$0x5], $0x400, $0x38;
	[tilespmem:$0x1DBD0] =	vst v63  }
0x27: {  	s8 =	smov.u32 s0;
	s0 =	sadd.s32 $0x100, s0;
	_ =	swait.ge [sflag:s15], $0x400  }
.Ltmp1:
0x28: {  	s8 =	sshra.s32 s8, $0x2;
	[sflag:s15] =	ssyncset.done $0x0;
	(pc) =	sbr.rel @p0 .LBB2_4-.Ltmp1, $4  }
0x29: {  	s8 =	sadd.s32 s8, s10;
	[sflag:s15] =	ssyncadd.s32 $0xFFFFFC00  }
0x2a: {  	[spmem:s8] =	stream.linear.scatter [tilespmem:s16], [sflag:$0x5], $0x40, $0x38;
	[tilespmem:$0x1DBD0] =	vst v63  }
0x2b: {  	_ =	swait.ge [sflag:s15], $0x40  }
0x2c: {  	[sflag:s15] =	ssyncset.done $0x0  }
0x2d: {  	[sflag:s15] =	ssyncadd.s32 $0xFFFFFFC0;
	s0 =	simm.s32 $0x0;
	s7 =	rddreg [dreg:$0x4]  }
0x2e: {  	[tilespmem:s0], [sflag:$0x5] =	stream.linear.gather [hbm4b:s7+s0], $0x6270, $0x38;
	[tilespmem:$0x1DBD0] =	vst v63  }
0x2f: {  	_ =	swait.ge [sflag:s15], $0x6270  }
0x30: {  	[sflag:s15] =	ssyncset.done $0x0  }
0x31: {  	s9 =	rddreg [dreg:$0x5];
	[sflag:s15] =	ssyncadd.s32 $0xFFFF9D90  }
0x32: {  	[tilespmem:s17], [sflag:$0x5] =	stream.linear.gather [hbm4b:s9+s0], $0x6270, $0x38;
	[tilespmem:$0x1DBD0] =	vst v63  }
0x33: {  	_ =	swait.ge [sflag:s15], $0x6270  }
0x34: {  	[sflag:s15] =	ssyncset.done $0x0  }
0x35: {  	[sflag:s15] =	ssyncadd.s32 $0xFFFF9D90  }
0x36: {  	[bflag:$0x0] =	sbarrier.arrive $0xFFFF  }
0x37: {  	[tilespmem:s19], [sflag:$0x1] =	stream.indirect.gather [hbm4b:s5+s18], $0x10, s0, s18, $0xb8;
	[tilespmem:$0x1DBD0] =	vst v63  }
0x38: {  	_ = 	snop  }
0x39: {  	[tilespmem:s20], [sflag:$0x3] =	stream.indirect.gather [hbm4b:s6+s18], $0x1, s17, s18, $0xb8;
	[tilespmem:$0x1DBD0] =	vst v63  }
0x3a: {  	s0 =	simm.s32 $0x1F8  }
0x3b: {  	[tilespmem:s21], [sflag:$0x2] =	stream.indirect.gather [hbm4b:s5+s18], $0x10, s0, s18, $0xb8;
	[tilespmem:$0x1DBD0] =	vst v63  }
0x3c: {  	s7 =	simm.s32 $0x6468  }
0x3d: {  	[tilespmem:s22], [sflag:$0x4] =	stream.indirect.gather [hbm4b:s6+s18], $0x1, s7, s18, $0xb8;
	[tilespmem:$0x1DBD0] =	vst v63  }
0x3e: {  	_ =	swait.ge [sflag:s23], $0x1F40  }
0x3f: {  	[sflag:s23] =	ssyncset.done $0x0  }
0x40: {  	[sflag:s23] =	ssyncadd.s32 $0xFFFFE0C0  }
0x41: {  	_ =	swait.ge [sflag:s24], $0x1F4  }
0x42: {  	[sflag:s24] =	ssyncset.done $0x0  }
0x43: {  	s8 =	simm.s32 $0x6270;
	[sflag:s24] =	ssyncadd.s32 $0xFFFFFE0C  }
0x44: {  	[spmem:s2] =	stream.indirect.scatter.add.bf16 [tilespmem:s19], [sflag:$0x5], $0x10, s8, s18, $0xb8;
	[tilespmem:$0x1DBD0] =	vst v63  }
0x45: {  	_ =	swait.ge [sflag:s15], $0x1F40  }
0x46: {  	[sflag:s15] =	ssyncset.done $0x0  }
0x47: {  	s31 =	simm.s32 $0x0;
	[sflag:s15] =	ssyncadd.s32 $0xFFFFE0C0  }
0x48: {  	[spmem:s3] =	stream.indirect.scatter.add.f32 [tilespmem:s20], [sflag:$0x5], $0x1, s31, s18, $0xb8;
	[tilespmem:$0x1DBD0] =	vst v63  }
0x49: {  	_ =	swait.ge [sflag:s15], $0x1F4  }
0x4a: {  	[sflag:s15] =	ssyncset.done $0x0  }
0x4b: {  	s9 =	simm.s32 $0x3F0;
	[sflag:s15] =	ssyncadd.s32 $0xFFFFFE0C  }
0x4c: {  	[tilespmem:s19], [sflag:$0x1] =	stream.indirect.gather [hbm4b:s5+s18], $0x10, s9, s18, $0xb8;
	[tilespmem:$0x1DBD0] =	vst v63  }
0x4d: {  	s31 =	simm.s32 $0x6660  }
0x4e: {  	[tilespmem:s20], [sflag:$0x3] =	stream.indirect.gather [hbm4b:s6+s18], $0x1, s31, s18, $0xb8;
	[tilespmem:$0x1DBD0] =	vst v63  }
0x4f: {  	_ =	swait.ge [sflag:s25], $0x1F40  }
0x50: {  	[sflag:s25] =	ssyncset.done $0x0  }
0x51: {  	[sflag:s25] =	ssyncadd.s32 $0xFFFFE0C0  }
0x52: {  	_ =	swait.ge [sflag:s26], $0x1F4  }
0x53: {  	[sflag:s26] =	ssyncset.done $0x0  }
0x54: {  	[sflag:s26] =	ssyncadd.s32 $0xFFFFFE0C  }
0x55: {  	[spmem:s2] =	stream.indirect.scatter.add.bf16 [tilespmem:s21], [sflag:$0x5], $0x10, s7, s18, $0xb8;
	[tilespmem:$0x1DBD0] =	vst v63  }
0x56: {  	_ =	swait.ge [sflag:s15], $0x1F40  }
0x57: {  	[sflag:s15] =	ssyncset.done $0x0  }
0x58: {  	[sflag:s15] =	ssyncadd.s32 $0xFFFFE0C0  }
0x59: {  	[spmem:s3] =	stream.indirect.scatter.add.f32 [tilespmem:s22], [sflag:$0x5], $0x1, s0, s18, $0xb8;
	[tilespmem:$0x1DBD0] =	vst v63  }
0x5a: {  	_ =	swait.ge [sflag:s15], $0x1F4  }
0x5b: {  	s30 =	simm.s32 $0x1F80;
	s0 =	simm.s32 $0x3F0;
	[sflag:s15] =	ssyncset.done $0x0  }
.LBB2_6:
0x5c: {  	s7 =	sadd.s32 $0x1F8, s0  }
0x5d: {  	[sflag:s15] =	ssyncadd.s32 $0xFFFFFE0C;
	s31 =	smov.u32 s30;
	s8 =	sadd.s32 $0xFC0, s30  }
0x5e: {  	[tilespmem:s21], [sflag:$0x2] =	stream.indirect.gather [hbm4b:s5+s18], $0x10, s7, s18, $0xb8;
	[tilespmem:$0x1DBD0] =	vst v63  }
0x5f: {  	p0 =	sne.s32 s30, $0x16A40;
	s30 =	sadd.s32 $0x6468, s0  }
0x60: {  	[tilespmem:s22], [sflag:$0x4] =	stream.indirect.gather [hbm4b:s6+s18], $0x1, s30, s18, $0xb8;
	[tilespmem:$0x1DBD0] =	vst v63  }
0x61: {  	_ =	swait.ge [sflag:s23], $0x1F40  }
0x62: {  	[sflag:s23] =	ssyncset.done $0x0  }
0x63: {  	[sflag:s23] =	ssyncadd.s32 $0xFFFFE0C0  }
0x64: {  	_ =	swait.ge [sflag:s24], $0x1F4  }
0x65: {  	[sflag:s24] =	ssyncset.done $0x0  }
0x66: {  	s9 =	sadd.s32 $0x6270, s0;
	[sflag:s24] =	ssyncadd.s32 $0xFFFFFE0C  }
0x67: {  	[spmem:s2] =	stream.indirect.scatter.add.bf16 [tilespmem:s19], [sflag:$0x5], $0x10, s9, s18, $0xb8;
	[tilespmem:$0x1DBD0] =	vst v63  }
0x68: {  	_ =	swait.ge [sflag:s15], $0x1F40  }
0x69: {  	[sflag:s15] =	ssyncset.done $0x0  }
0x6a: {  	[sflag:s15] =	ssyncadd.s32 $0xFFFFE0C0  }
0x6b: {  	[spmem:s3] =	stream.indirect.scatter.add.f32 [tilespmem:s20], [sflag:$0x5], $0x1, s0, s18, $0xb8;
	[tilespmem:$0x1DBD0] =	vst v63  }
0x6c: {  	_ =	swait.ge [sflag:s15], $0x1F4  }
0x6d: {  	[sflag:s15] =	ssyncset.done $0x0  }
0x6e: {  	s9 =	sadd.s32 $0x3F0, s0;
	[sflag:s15] =	ssyncadd.s32 $0xFFFFFE0C  }
0x6f: {  	[tilespmem:s19], [sflag:$0x1] =	stream.indirect.gather [hbm4b:s5+s18], $0x10, s9, s18, $0xb8;
	[tilespmem:$0x1DBD0] =	vst v63  }
0x70: {  	s0 =	sadd.s32 $0x6660, s0  }
0x71: {  	[tilespmem:s20], [sflag:$0x3] =	stream.indirect.gather [hbm4b:s6+s18], $0x1, s0, s18, $0xb8;
	[tilespmem:$0x1DBD0] =	vst v63  }
0x72: {  	_ =	swait.ge [sflag:s25], $0x1F40  }
0x73: {  	[sflag:s25] =	ssyncset.done $0x0  }
0x74: {  	[sflag:s25] =	ssyncadd.s32 $0xFFFFE0C0  }
0x75: {  	_ =	swait.ge [sflag:s26], $0x1F4  }
0x76: {  	[sflag:s26] =	ssyncset.done $0x0  }
0x77: {  	[sflag:s26] =	ssyncadd.s32 $0xFFFFFE0C  }
0x78: {  	[spmem:s2] =	stream.indirect.scatter.add.bf16 [tilespmem:s21], [sflag:$0x5], $0x10, s30, s18, $0xb8;
	[tilespmem:$0x1DBD0] =	vst v63  }
0x79: {  	_ =	swait.ge [sflag:s15], $0x1F40  }
.Ltmp2:
0x7a: {  	[sflag:s15] =	ssyncset.done $0x0;
	(pc) =	sbr.rel @p0 .LBB2_6-.Ltmp2, $4  }
0x7b: {  	[sflag:s15] =	ssyncadd.s32 $0xFFFFE0C0  }
0x7c: {  	[spmem:s3] =	stream.indirect.scatter.add.f32 [tilespmem:s22], [sflag:$0x5], $0x1, s7, s18, $0xb8;
	[tilespmem:$0x1DBD0] =	vst v63  }
0x7d: {  	_ =	swait.ge [sflag:s15], $0x1F4  }
0x7e: {  	s0 =	sshra.s32 s31, $0x2;
	s30 =	smov.u32 s8;
	[sflag:s15] =	ssyncset.done $0x0  }
0x7f: {  	s7 =	sadd.s32 $0x1F8, s0;
	[sflag:s15] =	ssyncadd.s32 $0xFFFFFE0C  }
0x80: {  	[tilespmem:s21], [sflag:$0x2] =	stream.indirect.gather [hbm4b:s5+s18], $0x10, s7, s18, $0xb8;
	[tilespmem:$0x1DBD0] =	vst v63  }
0x81: {  	s8 =	sadd.s32 $0x6468, s0  }
0x82: {  	[tilespmem:s22], [sflag:$0x4] =	stream.indirect.gather [hbm4b:s6+s18], $0x1, s8, s18, $0xb8;
	[tilespmem:$0x1DBD0] =	vst v63  }
0x83: {  	_ =	swait.ge [sflag:s23], $0x1F40  }
0x84: {  	[sflag:s23] =	ssyncset.done $0x0  }
0x85: {  	[sflag:s23] =	ssyncadd.s32 $0xFFFFE0C0  }
0x86: {  	_ =	swait.ge [sflag:s24], $0x1F4  }
0x87: {  	[sflag:s24] =	ssyncset.done $0x0  }
0x88: {  	s9 =	sadd.s32 $0x6270, s0;
	[sflag:s24] =	ssyncadd.s32 $0xFFFFFE0C  }
0x89: {  	[spmem:s2] =	stream.indirect.scatter.add.bf16 [tilespmem:s19], [sflag:$0x5], $0x10, s9, s18, $0xb8;
	[tilespmem:$0x1DBD0] =	vst v63  }
0x8a: {  	_ =	swait.ge [sflag:s15], $0x1F40  }
0x8b: {  	[sflag:s15] =	ssyncset.done $0x0  }
0x8c: {  	[sflag:s15] =	ssyncadd.s32 $0xFFFFE0C0  }
0x8d: {  	[spmem:s3] =	stream.indirect.scatter.add.f32 [tilespmem:s20], [sflag:$0x5], $0x1, s0, s18, $0xb8;
	[tilespmem:$0x1DBD0] =	vst v63  }
0x8e: {  	_ =	swait.ge [sflag:s15], $0x1F4  }
0x8f: {  	[sflag:s15] =	ssyncset.done $0x0  }
0x90: {  	s9 =	sadd.s32 $0x3F0, s0;
	[sflag:s15] =	ssyncadd.s32 $0xFFFFFE0C  }
0x91: {  	[tilespmem:s19], [sflag:$0x1] =	stream.indirect.gather [hbm4b:s5+s18], $0x10, s9, s18, $0xb8;
	[tilespmem:$0x1DBD0] =	vst v63  }
0x92: {  	s9 =	sadd.s32 $0x6660, s0  }
0x93: {  	[tilespmem:s20], [sflag:$0x3] =	stream.indirect.gather [hbm4b:s6+s18], $0x1, s9, s18, $0xb8;
	[tilespmem:$0x1DBD0] =	vst v63  }
0x94: {  	_ =	swait.ge [sflag:s25], $0x1F40  }
0x95: {  	[sflag:s25] =	ssyncset.done $0x0  }
0x96: {  	[sflag:s25] =	ssyncadd.s32 $0xFFFFE0C0  }
0x97: {  	_ =	swait.ge [sflag:s26], $0x1F4  }
0x98: {  	[sflag:s26] =	ssyncset.done $0x0  }
0x99: {  	[sflag:s26] =	ssyncadd.s32 $0xFFFFFE0C  }
0x9a: {  	[spmem:s2] =	stream.indirect.scatter.add.bf16 [tilespmem:s21], [sflag:$0x5], $0x10, s8, s18, $0xb8;
	[tilespmem:$0x1DBD0] =	vst v63  }
0x9b: {  	_ =	swait.ge [sflag:s15], $0x1F40  }
0x9c: {  	[sflag:s15] =	ssyncset.done $0x0  }
0x9d: {  	[sflag:s15] =	ssyncadd.s32 $0xFFFFE0C0  }
0x9e: {  	[spmem:s3] =	stream.indirect.scatter.add.f32 [tilespmem:s22], [sflag:$0x5], $0x1, s7, s18, $0xb8;
	[tilespmem:$0x1DBD0] =	vst v63  }
0x9f: {  	_ =	swait.ge [sflag:s15], $0x1F4  }
0xa0: {  	[sflag:s15] =	ssyncset.done $0x0  }
0xa1: {  	[sflag:s15] =	ssyncadd.s32 $0xFFFFFE0C  }
0xa2: {  	[tilespmem:s21], [sflag:$0x2] =	stream.indirect.gather [hbm4b:s5+s18], $0x10, s28, s18, $0xb8;
	[tilespmem:$0x1DBD0] =	vst v63  }
0xa3: {  	_ = 	snop  }
0xa4: {  	[tilespmem:s22], [sflag:$0x4] =	stream.indirect.gather [hbm4b:s6+s18], $0x1, s29, s18, $0xb8;
	[tilespmem:$0x1DBD0] =	vst v63  }
0xa5: {  	_ =	swait.ge [sflag:s23], $0x1F40  }
0xa6: {  	[sflag:s23] =	ssyncset.done $0x0  }
0xa7: {  	[sflag:s23] =	ssyncadd.s32 $0xFFFFE0C0  }
0xa8: {  	_ =	swait.ge [sflag:s24], $0x1F4  }
0xa9: {  	[sflag:s24] =	ssyncset.done $0x0  }
0xaa: {  	s7 =	simm.s32 $0xC0F0;
	[sflag:s24] =	ssyncadd.s32 $0xFFFFFE0C  }
0xab: {  	[spmem:s2] =	stream.indirect.scatter.add.bf16 [tilespmem:s19], [sflag:$0x5], $0x10, s7, s18, $0xb8;
	[tilespmem:$0x1DBD0] =	vst v63  }
0xac: {  	_ =	swait.ge [sflag:s15], $0x1F40  }
0xad: {  	[sflag:s15] =	ssyncset.done $0x0  }
0xae: {  	s8 =	simm.s32 $0x5E80;
	[sflag:s15] =	ssyncadd.s32 $0xFFFFE0C0  }
0xaf: {  	[spmem:s3] =	stream.indirect.scatter.add.f32 [tilespmem:s20], [sflag:$0x5], $0x1, s8, s18, $0xb8;
	[tilespmem:$0x1DBD0] =	vst v63  }
0xb0: {  	_ =	swait.ge [sflag:s15], $0x1F4  }
0xb1: {  	[sflag:s15] =	ssyncset.done $0x0  }
0xb2: {  	[sflag:s15] =	ssyncadd.s32 $0xFFFFFE0C  }
0xb3: {  	_ =	swait.ge [sflag:s25], $0x1F40  }
0xb4: {  	[sflag:s25] =	ssyncset.done $0x0  }
0xb5: {  	[sflag:s25] =	ssyncadd.s32 $0xFFFFE0C0  }
0xb6: {  	_ =	swait.ge [sflag:s26], $0x1F4  }
0xb7: {  	[sflag:s26] =	ssyncset.done $0x0  }
0xb8: {  	[sflag:s26] =	ssyncadd.s32 $0xFFFFFE0C  }
0xb9: {  	[spmem:s2] =	stream.indirect.scatter.add.bf16 [tilespmem:s21], [sflag:$0x5], $0x10, s29, s18, $0xb8;
	[tilespmem:$0x1DBD0] =	vst v63  }
0xba: {  	_ =	swait.ge [sflag:s15], $0x1F40  }
0xbb: {  	[sflag:s15] =	ssyncset.done $0x0  }
0xbc: {  	[sflag:s15] =	ssyncadd.s32 $0xFFFFE0C0  }
0xbd: {  	[spmem:s3] =	stream.indirect.scatter.add.f32 [tilespmem:s22], [sflag:$0x5], $0x1, s28, s18, $0xb8;
	[tilespmem:$0x1DBD0] =	vst v63  }
0xbe: {  	_ =	swait.ge [sflag:s15], $0x1F4  }
0xbf: {  	[sflag:s15] =	ssyncset.done $0x0  }
0xc0: {  	[sflag:s15] =	ssyncadd.s32 $0xFFFFFE0C  }
0xc1: {  	[bflag:$0x0] =	sbarrier.arrive $0xFFFF  }
0xc2: {  	[tilespmem:s14], [sflag:$0x5] =	stream.linear.gather [spmem:s11], $0x400, $0x38;
	[tilespmem:$0x1DBD0] =	vst v63  }
0xc3: {  	_ =	swait.ge [sflag:s15], $0x400  }
0xc4: {  	[sflag:s15] =	ssyncset.done $0x0  }
0xc5: {  	[sflag:s15] =	ssyncadd.s32 $0xFFFFFC00  }
0xc6: {  	[hbm4b:s12+s4] =	stream.linear.scatter [tilespmem:s14], [sflag:$0x5], $0x400, $0x38;
	[tilespmem:$0x1DBD0] =	vst v63  }
0xc7: {  	_ =	swait.ge [sflag:s15], $0x400  }
0xc8: {  	[sflag:s15] =	ssyncset.done $0x0  }
0xc9: {  	[sflag:s15] =	ssyncadd.s32 $0xFFFFFC00  }
0xca: {  	[tilespmem:s16], [sflag:$0x5] =	stream.linear.gather [spmem:s10], $0x40, $0x38;
	[tilespmem:$0x1DBD0] =	vst v63  }
0xcb: {  	_ =	swait.ge [sflag:s15], $0x40  }
0xcc: {  	[sflag:s15] =	ssyncset.done $0x0  }
0xcd: {  	s9 =	sadd.s32 $0x0, s13;
	[sflag:s15] =	ssyncadd.s32 $0xFFFFFFC0  }
0xce: {  	[hbm4b:s9+s4] =	stream.linear.scatter [tilespmem:s16], [sflag:$0x5], $0x40, $0x38;
	[tilespmem:$0x1DBD0] =	vst v63  }
0xcf: {  	s30 =	smov.u32 s10;
	s31 =	smov.u32 s11;
	_ =	swait.ge [sflag:s15], $0x40  }
0xd0: {  	s0 =	simm.s32 $0x8;
	s7 =	sadd.s32 $0x80, s12;
	[sflag:s15] =	ssyncset.done $0x0  }
.LBB2_8:
0xd1: {  	[sflag:s15] =	ssyncadd.s32 $0xFFFFFFC0  }
0xd2: {  	s30 =	sadd.s32 $0x40, s30;
	s31 =	sadd.s32 $0x400, s31;
	s8 =	smov.u32 s0  }
0xd3: {  	[tilespmem:s14], [sflag:$0x5] =	stream.linear.gather [spmem:s31], $0x400, $0x38;
	[tilespmem:$0x1DBD0] =	vst v63  }
0xd4: {  	p0 =	sne.s32 s0, $0x180;
	s0 =	sadd.s32 $0x8, s0;
	_ =	swait.ge [sflag:s15], $0x400  }
0xd5: {  	[sflag:s15] =	ssyncset.done $0x0  }
0xd6: {  	[sflag:s15] =	ssyncadd.s32 $0xFFFFFC00  }
0xd7: {  	[hbm4b:s7+s4] =	stream.linear.scatter [tilespmem:s14], [sflag:$0x5], $0x400, $0x38;
	[tilespmem:$0x1DBD0] =	vst v63  }
0xd8: {  	_ =	swait.ge [sflag:s15], $0x400  }
0xd9: {  	[sflag:s15] =	ssyncset.done $0x0  }
0xda: {  	[sflag:s15] =	ssyncadd.s32 $0xFFFFFC00  }
0xdb: {  	[tilespmem:s16], [sflag:$0x5] =	stream.linear.gather [spmem:s30], $0x40, $0x38;
	[tilespmem:$0x1DBD0] =	vst v63  }
0xdc: {  	_ =	swait.ge [sflag:s15], $0x40  }
.Ltmp3:
0xdd: {  	[sflag:s15] =	ssyncset.done $0x0;
	(pc) =	sbr.rel @p0 .LBB2_8-.Ltmp3, $4  }
0xde: {  	s8 =	sadd.s32 s8, s13;
	[sflag:s15] =	ssyncadd.s32 $0xFFFFFFC0  }
0xdf: {  	[hbm4b:s8+s4] =	stream.linear.scatter [tilespmem:s16], [sflag:$0x5], $0x40, $0x38;
	[tilespmem:$0x1DBD0] =	vst v63  }
0xe0: {  	_ =	swait.ge [sflag:s15], $0x40  }
0xe1: {  	s7 =	sadd.s32 $0x80, s7;
	[sflag:s15] =	ssyncset.done $0x0  }
0xe2: {  	s1 =	sadd.s32 $0x1, s1;
	s0 =	rddreg [dreg:$0x6]  }
0xe3: {  	p0 =	sne.s32 s1, s0  }
.Ltmp4:
0xe4: {  	_ = 	snop;
	(pc) =	sbr.rel @p0 .LBB2_1-.Ltmp4, $2  }
0xe5: {  	_ =	sdelay $0x2  }
0xe6: {  	[sflag:s15] =	ssyncadd.s32 $0xFFFFFFC0  }
0xe7: {  	_ =	sfence.sel $0x180000  }
0xe8: {  	[bflag:$0x0] =	sbarrier.arrive $0xFFFF  }
0xe9: {  	_ =	strace $0x9000004A  }
0xea: {  	s0 =	stileid.u32;
	[bflag:$0x2] =	sbarrier.arrive $0xFFFF  }
0xeb: {  	p0 =	sne.s32 s0, $0x0;
	s0 =	rddreg [dreg:$0x3]  }
0xec: {  	s0 =	sadd.s32 @!p0 $0x100000, s0  }
0xed: {  	[sflag:s0] =	ssyncadd.tile.s32 @!p0 $0x1;
	_ =	shalt  }
.Lfunc_end2:
_tile_overlayer_lowered:
.L_overlay_start_2:
0xee: {  	(tag) =	ssettag $0x2  }
0xef: {  	s0 =	rddreg [dreg:$0x0];
	s2 =	stileid.u32  }
0xf0: {  	s1 =	rddreg [dreg:$0x1];
	p0 =	sne.s32 s2, $0x0  }
0xf1: {  	s3 =	rddreg [dreg:$0x2];
	[bflag:$0x3] =	sbarrier.arrive $0xFFFF;
	s2 =	simm.s32 @!p0 $0x1C05  }
0xf2: {  	[timem:s3], [sflag:s2] =	dma.local @!p0 [hbm:s0], s1  }
0xf3: {  	s0 =	simm.s32 @!p0 $0x5  }
0xf4: {  	_ =	swait.ge @!p0 [sflag:s0], s1  }
0xf5: {  	s1 =	ssub.s32 @!p0 $0x0, s1;
	[sflag:s0] =	ssyncset.done @!p0 $0x0  }
0xf6: {  	[sflag:s0] =	ssyncadd.s32 @!p0 s1  }
0xf7: {  	[bflag:$0x3] =	sbarrier.arrive $0xFFFF  }
0xf8: {  	_ =	shalt  }

</sc_bundles>
